<compile_context>
chip_gen: v7x
topology: tpu7x:2x2x1
jax: 0.10.2.dev20260603
libtpu: 0.0.44.dev20260713+nightly
codegen_flags: <defaults>
</compile_context>

<pallas_src>
import functools

import jax
import jax.numpy as jnp
from jax import lax
from jax.experimental import pallas as pl
from jax.experimental.pallas import tpu as pltpu
from jax.experimental.pallas import tpu_sc as plsc

_B = 16384
_D = 4
_R = 1000000
_NC = 2
_NS = 16
_NW = _NC * _NS
_BPW = _B // _NW
_BLK = 128
_NBLK = _BPW // _BLK


@functools.partial(
    pl.kernel,
    out_type=jax.ShapeDtypeStruct((_B // _BLK * _D, _BLK), jnp.float32),
    mesh=plsc.VectorSubcoreMesh(core_axis_name="c", subcore_axis_name="s"),
    compiler_params=pltpu.CompilerParams(needs_layout_passes=False),
    scratch_types=[
        pltpu.VMEM((_BPW,), jnp.int32),
        pltpu.VMEM((_NBLK * _D, _BLK), jnp.int32),
        pltpu.VMEM((_NBLK * _D, _BLK), jnp.float32),
        pltpu.SemaphoreType.DMA,
    ],
)
def _sc_gather(idx_hbm, tbl_hbm, out_hbm, idx_v, fidx_v, val_v, sem):
    wid = lax.axis_index("s") * _NC + lax.axis_index("c")
    pltpu.sync_copy(idx_hbm.at[pl.ds(wid * _BPW, _BPW)], idx_v)
    copies = []
    for b in range(_NBLK):
        for k in range(_BLK // 16):
            iv = idx_v[pl.ds(b * _BLK + k * 16, 16)]
            for a in range(_D):
                fidx_v[b * _D + a, pl.ds(k * 16, 16)] = iv + (a * _R)
        for a in range(_D):
            copies.append(
                pltpu.async_copy(
                    tbl_hbm.at[fidx_v.at[b * _D + a]],
                    val_v.at[b * _D + a],
                    sem,
                )
            )
    for cp in copies:
        cp.wait()
    pltpu.sync_copy(val_v, out_hbm.at[pl.ds(wid * _NBLK * _D, _NBLK * _D)])


def kernel(states, tbl):
    idx = jnp.reshape(states.astype(jnp.int32), (_B,))
    tbl_n = jnp.reshape(jnp.transpose(tbl), (_R * _D,))
    out_k = _sc_gather(idx, tbl_n)
    return jnp.reshape(
        jnp.transpose(jnp.reshape(out_k, (_B // _BLK, _D, _BLK)), (0, 2, 1)),
        (_B, _D),
    )

# --- scband reference (transcript-rebuilt; emitter-appended) ---
"""Pipeline reference for scband-ppotabular-actor-66194035966201 (READ-ONLY COPY).

The authoritative reference and input builder live on the scoring server;
editing this copy changes nothing except your own understanding.
"""

import jax, jax.numpy as jnp
import numpy as np

NUM_STATES = 1000000
NUM_ACTIONS = 4
BATCH = 16384

def setup_inputs(seed: int = 0) -> dict:
    key = jax.random.key(seed)
    k_idx, k_tbl = jax.random.split(key)
    states = jax.random.randint(k_idx, (BATCH, 1), 0, NUM_STATES, dtype=jnp.int64 if jax.config.jax_enable_x64 else jnp.int32)
    tbl = jax.random.normal(k_tbl, (NUM_STATES, NUM_ACTIONS), dtype=jnp.float32)
    return {"states": states, "tbl": tbl}

def reference(states, tbl):
    # PPOTabularActor.__call__: logits = tbl[states.squeeze(-1)], cast to dtype
    idx = jnp.squeeze(states, axis=-1)
    logits = jnp.asarray(jnp.take(tbl, idx, axis=0), dtype=jnp.float32)
    # DiscreteActionDistributions wraps logits; the computed tensor is the logits themselves
    return logits

if __name__ == "__main__":
    import jax
    _d = setup_inputs()
    print(jax.jit(kernel)(*tuple(_d.values())))

</pallas_src>

<mosaic_0001>
#map = affine_map<(d0, d1) -> (0)>
#map1 = affine_map<(d0, d1) -> (0, 0)>
module attributes {stable_mosaic.version = 14 : i64} {
  func.func @_sc_gather(%arg0: i32, %arg1: i32, %arg2: memref<16384xi32, #tpu.memory_space<hbm>>, %arg3: memref<4000000xf32, #tpu.memory_space<hbm>>, %arg4: memref<512x128xf32, #tpu.memory_space<hbm>>, %arg5: memref<512xi32, #tpu.memory_space<vmem>>, %arg6: memref<16x128xi32, #tpu.memory_space<vmem>>, %arg7: memref<16x128xf32, #tpu.memory_space<vmem>>, %arg8: memref<!tpu.dma_semaphore, #tpu.memory_space<semaphore_mem>>) attributes {dimension_semantics = [#tpu.dimension_semantics<core_parallel>, #tpu.dimension_semantics<subcore_parallel>], iteration_bounds = array<i64: 2, 16>, scalar_prefetch = 0 : i64, scratch_operands = 4 : i64, tpu.core_type = #tpu.core_type<sc_vector_subcore>, window_params = [{transform_indices = #map}, {transform_indices = #map}, {transform_indices = #map1}]} {
    %mul3A = arith.constant 2 : i32
    %mul3A_0 = arith.muli %arg1, %mul3A : i32
    %add3A = arith.addi %mul3A_0, %arg0 : i32
    %mul3A_1 = arith.constant 512 : i32
    %mul3A_2 = arith.muli %add3A, %mul3A_1 : i32
    "tpu.region"() ({
      %run_scoped3A = tpu.sem_alloc : memref<!tpu.dma_semaphore, #tpu.memory_space<semaphore_mem>>
      %dma_start3A_1283 = tpu.memref_slice %arg2[%mul3A_2] : memref<16384xi32, #tpu.memory_space<hbm>> -> memref<512xi32, #tpu.memory_space<hbm>>
      %dma_start3A_1284 = tpu.memref_slice %arg2[%mul3A_2] : memref<16384xi32, #tpu.memory_space<hbm>> -> memref<512xi32, #tpu.memory_space<hbm>>
      tpu.enqueue_dma source(%dma_start3A_1284 : memref<512xi32, #tpu.memory_space<hbm>>) target(%arg5 : memref<512xi32, #tpu.memory_space<vmem>>) target_semaphore(%run_scoped3A : memref<!tpu.dma_semaphore, #tpu.memory_space<semaphore_mem>>)
      %dma_wait3A_1285 = tpu.memref_slice %arg2[%mul3A_2] : memref<16384xi32, #tpu.memory_space<hbm>> -> memref<512xi32, #tpu.memory_space<hbm>>
      %dma_wait3A_1286 = tpu.memref_slice %arg2[%mul3A_2] : memref<16384xi32, #tpu.memory_space<hbm>> -> memref<512xi32, #tpu.memory_space<hbm>>
      tpu.wait_dma2 semaphore(%run_scoped3A : memref<!tpu.dma_semaphore, #tpu.memory_space<semaphore_mem>>) src(%dma_wait3A_1286 : memref<512xi32, #tpu.memory_space<hbm>>) dst(%arg5 : memref<512xi32, #tpu.memory_space<vmem>>)
      tpu.yield
    }) : () -> ()
    %get3A = arith.constant 0 : index
    %get3A_3 = tpu.vector_load %arg5[%get3A] {strides = array<i32>} : memref<512xi32, #tpu.memory_space<vmem>>, vector<16xi32>,
    %add3A_4 = arith.constant 0 : i32
    %add3A_5 = vector.broadcast %add3A_4 : i32 to vector<16xi32>
    %add3A_6 = arith.addi %get3A_3, %add3A_5 : vector<16xi32>
    %swap3A = arith.constant 0 : i32
    %swap3A_7 = arith.index_cast %swap3A : i32 to index
    %swap3A_8 = arith.constant 0 : index
    %swap3A_9 = tpu.vector_load %arg6[%swap3A_7, %swap3A_8] {strides = array<i32>} : memref<16x128xi32, #tpu.memory_space<vmem>>, vector<16xi32>,
    tpu.vector_store %arg6[%swap3A_7, %swap3A_8], %add3A_6 {strides = array<i32>} : memref<16x128xi32, #tpu.memory_space<vmem>>, vector<16xi32>,
    %add3A_10 = arith.constant 1000000 : i32
    %add3A_11 = vector.broadcast %add3A_10 : i32 to vector<16xi32>
    %add3A_12 = arith.addi %get3A_3, %add3A_11 : vector<16xi32>
    %swap3A_13 = arith.constant 1 : i32
    %swap3A_14 = arith.index_cast %swap3A_13 : i32 to index
    %swap3A_15 = arith.constant 0 : index
    %swap3A_16 = tpu.vector_load %arg6[%swap3A_14, %swap3A_15] {strides = array<i32>} : memref<16x128xi32, #tpu.memory_space<vmem>>, vector<16xi32>,
    tpu.vector_store %arg6[%swap3A_14, %swap3A_15], %add3A_12 {strides = array<i32>} : memref<16x128xi32, #tpu.memory_space<vmem>>, vector<16xi32>,
    %add3A_17 = arith.constant 2000000 : i32
    %add3A_18 = vector.broadcast %add3A_17 : i32 to vector<16xi32>
    %add3A_19 = arith.addi %get3A_3, %add3A_18 : vector<16xi32>
    %swap3A_20 = arith.constant 2 : i32
    %swap3A_21 = arith.index_cast %swap3A_20 : i32 to index
    %swap3A_22 = arith.constant 0 : index
    %swap3A_23 = tpu.vector_load %arg6[%swap3A_21, %swap3A_22] {strides = array<i32>} : memref<16x128xi32, #tpu.memory_space<vmem>>, vector<16xi32>,
    tpu.vector_store %arg6[%swap3A_21, %swap3A_22], %add3A_19 {strides = array<i32>} : memref<16x128xi32, #tpu.memory_space<vmem>>, vector<16xi32>,
    %add3A_24 = arith.constant 3000000 : i32
    %add3A_25 = vector.broadcast %add3A_24 : i32 to vector<16xi32>
    %add3A_26 = arith.addi %get3A_3, %add3A_25 : vector<16xi32>
    %swap3A_27 = arith.constant 3 : i32
    %swap3A_28 = arith.index_cast %swap3A_27 : i32 to index
    %swap3A_29 = arith.constant 0 : index
    %swap3A_30 = tpu.vector_load %arg6[%swap3A_28, %swap3A_29] {strides = array<i32>} : memref<16x128xi32, #tpu.memory_space<vmem>>, vector<16xi32>,
    tpu.vector_store %arg6[%swap3A_28, %swap3A_29], %add3A_26 {strides = array<i32>} : memref<16x128xi32, #tpu.memory_space<vmem>>, vector<16xi32>,
    %get3A_31 = arith.constant 16 : index
    %get3A_32 = tpu.vector_load %arg5[%get3A_31] {strides = array<i32>} : memref<512xi32, #tpu.memory_space<vmem>>, vector<16xi32>,
    %add3A_33 = arith.constant 0 : i32
    %add3A_34 = vector.broadcast %add3A_33 : i32 to vector<16xi32>
    %add3A_35 = arith.addi %get3A_32, %add3A_34 : vector<16xi32>
    %swap3A_36 = arith.constant 0 : i32
    %swap3A_37 = arith.index_cast %swap3A_36 : i32 to index
    %swap3A_38 = arith.constant 16 : index
    %swap3A_39 = tpu.vector_load %arg6[%swap3A_37, %swap3A_38] {strides = array<i32>} : memref<16x128xi32, #tpu.memory_space<vmem>>, vector<16xi32>,
    tpu.vector_store %arg6[%swap3A_37, %swap3A_38], %add3A_35 {strides = array<i32>} : memref<16x128xi32, #tpu.memory_space<vmem>>, vector<16xi32>,
    %add3A_40 = arith.constant 1000000 : i32
    %add3A_41 = vector.broadcast %add3A_40 : i32 to vector<16xi32>
    %add3A_42 = arith.addi %get3A_32, %add3A_41 : vector<16xi32>
    %swap3A_43 = arith.constant 1 : i32
    %swap3A_44 = arith.index_cast %swap3A_43 : i32 to index
    %swap3A_45 = arith.constant 16 : index
    %swap3A_46 = tpu.vector_load %arg6[%swap3A_44, %swap3A_45] {strides = array<i32>} : memref<16x128xi32, #tpu.memory_space<vmem>>, vector<16xi32>,
    tpu.vector_store %arg6[%swap3A_44, %swap3A_45], %add3A_42 {strides = array<i32>} : memref<16x128xi32, #tpu.memory_space<vmem>>, vector<16xi32>,
    %add3A_47 = arith.constant 2000000 : i32
    %add3A_48 = vector.broadcast %add3A_47 : i32 to vector<16xi32>
    %add3A_49 = arith.addi %get3A_32, %add3A_48 : vector<16xi32>
    %swap3A_50 = arith.constant 2 : i32
    %swap3A_51 = arith.index_cast %swap3A_50 : i32 to index
    %swap3A_52 = arith.constant 16 : index
    %swap3A_53 = tpu.vector_load %arg6[%swap3A_51, %swap3A_52] {strides = array<i32>} : memref<16x128xi32, #tpu.memory_space<vmem>>, vector<16xi32>,
    tpu.vector_store %arg6[%swap3A_51, %swap3A_52], %add3A_49 {strides = array<i32>} : memref<16x128xi32, #tpu.memory_space<vmem>>, vector<16xi32>,
    %add3A_54 = arith.constant 3000000 : i32
    %add3A_55 = vector.broadcast %add3A_54 : i32 to vector<16xi32>
    %add3A_56 = arith.addi %get3A_32, %add3A_55 : vector<16xi32>
    %swap3A_57 = arith.constant 3 : i32
    %swap3A_58 = arith.index_cast %swap3A_57 : i32 to index
    %swap3A_59 = arith.constant 16 : index
    %swap3A_60 = tpu.vector_load %arg6[%swap3A_58, %swap3A_59] {strides = array<i32>} : memref<16x128xi32, #tpu.memory_space<vmem>>, vector<16xi32>,
    tpu.vector_store %arg6[%swap3A_58, %swap3A_59], %add3A_56 {strides = array<i32>} : memref<16x128xi32, #tpu.memory_space<vmem>>, vector<16xi32>,
    %get3A_61 = arith.constant 32 : index
    %get3A_62 = tpu.vector_load %arg5[%get3A_61] {strides = array<i32>} : memref<512xi32, #tpu.memory_space<vmem>>, vector<16xi32>,
    %add3A_63 = arith.constant 0 : i32
    %add3A_64 = vector.broadcast %add3A_63 : i32 to vector<16xi32>
    %add3A_65 = arith.addi %get3A_62, %add3A_64 : vector<16xi32>
    %swap3A_66 = arith.constant 0 : i32
    %swap3A_67 = arith.index_cast %swap3A_66 : i32 to index
    %swap3A_68 = arith.constant 32 : index
    %swap3A_69 = tpu.vector_load %arg6[%swap3A_67, %swap3A_68] {strides = array<i32>} : memref<16x128xi32, #tpu.memory_space<vmem>>, vector<16xi32>,
    tpu.vector_store %arg6[%swap3A_67, %swap3A_68], %add3A_65 {strides = array<i32>} : memref<16x128xi32, #tpu.memory_space<vmem>>, vector<16xi32>,
    %add3A_70 = arith.constant 1000000 : i32
    %add3A_71 = vector.broadcast %add3A_70 : i32 to vector<16xi32>
    %add3A_72 = arith.addi %get3A_62, %add3A_71 : vector<16xi32>
    %swap3A_73 = arith.constant 1 : i32
    %swap3A_74 = arith.index_cast %swap3A_73 : i32 to index
    %swap3A_75 = arith.constant 32 : index
    %swap3A_76 = tpu.vector_load %arg6[%swap3A_74, %swap3A_75] {strides = array<i32>} : memref<16x128xi32, #tpu.memory_space<vmem>>, vector<16xi32>,
    tpu.vector_store %arg6[%swap3A_74, %swap3A_75], %add3A_72 {strides = array<i32>} : memref<16x128xi32, #tpu.memory_space<vmem>>, vector<16xi32>,
    %add3A_77 = arith.constant 2000000 : i32
    %add3A_78 = vector.broadcast %add3A_77 : i32 to vector<16xi32>
    %add3A_79 = arith.addi %get3A_62, %add3A_78 : vector<16xi32>
    %swap3A_80 = arith.constant 2 : i32
    %swap3A_81 = arith.index_cast %swap3A_80 : i32 to index
    %swap3A_82 = arith.constant 32 : index
    %swap3A_83 = tpu.vector_load %arg6[%swap3A_81, %swap3A_82] {strides = array<i32>} : memref<16x128xi32, #tpu.memory_space<vmem>>, vector<16xi32>,
    tpu.vector_store %arg6[%swap3A_81, %swap3A_82], %add3A_79 {strides = array<i32>} : memref<16x128xi32, #tpu.memory_space<vmem>>, vector<16xi32>,
    %add3A_84 = arith.constant 3000000 : i32
    %add3A_85 = vector.broadcast %add3A_84 : i32 to vector<16xi32>
    %add3A_86 = arith.addi %get3A_62, %add3A_85 : vector<16xi32>
    %swap3A_87 = arith.constant 3 : i32
    %swap3A_88 = arith.index_cast %swap3A_87 : i32 to index
    %swap3A_89 = arith.constant 32 : index
    %swap3A_90 = tpu.vector_load %arg6[%swap3A_88, %swap3A_89] {strides = array<i32>} : memref<16x128xi32, #tpu.memory_space<vmem>>, vector<16xi32>,
    tpu.vector_store %arg6[%swap3A_88, %swap3A_89], %add3A_86 {strides = array<i32>} : memref<16x128xi32, #tpu.memory_space<vmem>>, vector<16xi32>,
    %get3A_91 = arith.constant 48 : index
    %get3A_92 = tpu.vector_load %arg5[%get3A_91] {strides = array<i32>} : memref<512xi32, #tpu.memory_space<vmem>>, vector<16xi32>,
    %add3A_93 = arith.constant 0 : i32
    %add3A_94 = vector.broadcast %add3A_93 : i32 to vector<16xi32>
    %add3A_95 = arith.addi %get3A_92, %add3A_94 : vector<16xi32>
    %swap3A_96 = arith.constant 0 : i32
    %swap3A_97 = arith.index_cast %swap3A_96 : i32 to index
    %swap3A_98 = arith.constant 48 : index
    %swap3A_99 = tpu.vector_load %arg6[%swap3A_97, %swap3A_98] {strides = array<i32>} : memref<16x128xi32, #tpu.memory_space<vmem>>, vector<16xi32>,
    tpu.vector_store %arg6[%swap3A_97, %swap3A_98], %add3A_95 {strides = array<i32>} : memref<16x128xi32, #tpu.memory_space<vmem>>, vector<16xi32>,
    %add3A_100 = arith.constant 1000000 : i32
    %add3A_101 = vector.broadcast %add3A_100 : i32 to vector<16xi32>
    %add3A_102 = arith.addi %get3A_92, %add3A_101 : vector<16xi32>
    %swap3A_103 = arith.constant 1 : i32
    %swap3A_104 = arith.index_cast %swap3A_103 : i32 to index
    %swap3A_105 = arith.constant 48 : index
    %swap3A_106 = tpu.vector_load %arg6[%swap3A_104, %swap3A_105] {strides = array<i32>} : memref<16x128xi32, #tpu.memory_space<vmem>>, vector<16xi32>,
    tpu.vector_store %arg6[%swap3A_104, %swap3A_105], %add3A_102 {strides = array<i32>} : memref<16x128xi32, #tpu.memory_space<vmem>>, vector<16xi32>,
    %add3A_107 = arith.constant 2000000 : i32
    %add3A_108 = vector.broadcast %add3A_107 : i32 to vector<16xi32>
    %add3A_109 = arith.addi %get3A_92, %add3A_108 : vector<16xi32>
    %swap3A_110 = arith.constant 2 : i32
    %swap3A_111 = arith.index_cast %swap3A_110 : i32 to index
    %swap3A_112 = arith.constant 48 : index
    %swap3A_113 = tpu.vector_load %arg6[%swap3A_111, %swap3A_112] {strides = array<i32>} : memref<16x128xi32, #tpu.memory_space<vmem>>, vector<16xi32>,
    tpu.vector_store %arg6[%swap3A_111, %swap3A_112], %add3A_109 {strides = array<i32>} : memref<16x128xi32, #tpu.memory_space<vmem>>, vector<16xi32>,
    %add3A_114 = arith.constant 3000000 : i32
    %add3A_115 = vector.broadcast %add3A_114 : i32 to vector<16xi32>
    %add3A_116 = arith.addi %get3A_92, %add3A_115 : vector<16xi32>
    %swap3A_117 = arith.constant 3 : i32
    %swap3A_118 = arith.index_cast %swap3A_117 : i32 to index
    %swap3A_119 = arith.constant 48 : index
    %swap3A_120 = tpu.vector_load %arg6[%swap3A_118, %swap3A_119] {strides = array<i32>} : memref<16x128xi32, #tpu.memory_space<vmem>>, vector<16xi32>,
    tpu.vector_store %arg6[%swap3A_118, %swap3A_119], %add3A_116 {strides = array<i32>} : memref<16x128xi32, #tpu.memory_space<vmem>>, vector<16xi32>,
    %get3A_121 = arith.constant 64 : index
    %get3A_122 = tpu.vector_load %arg5[%get3A_121] {strides = array<i32>} : memref<512xi32, #tpu.memory_space<vmem>>, vector<16xi32>,
    %add3A_123 = arith.constant 0 : i32
    %add3A_124 = vector.broadcast %add3A_123 : i32 to vector<16xi32>
    %add3A_125 = arith.addi %get3A_122, %add3A_124 : vector<16xi32>
    %swap3A_126 = arith.constant 0 : i32
    %swap3A_127 = arith.index_cast %swap3A_126 : i32 to index
    %swap3A_128 = arith.constant 64 : index
    %swap3A_129 = tpu.vector_load %arg6[%swap3A_127, %swap3A_128] {strides = array<i32>} : memref<16x128xi32, #tpu.memory_space<vmem>>, vector<16xi32>,
    tpu.vector_store %arg6[%swap3A_127, %swap3A_128], %add3A_125 {strides = array<i32>} : memref<16x128xi32, #tpu.memory_space<vmem>>, vector<16xi32>,
    %add3A_130 = arith.constant 1000000 : i32
    %add3A_131 = vector.broadcast %add3A_130 : i32 to vector<16xi32>
    %add3A_132 = arith.addi %get3A_122, %add3A_131 : vector<16xi32>
    %swap3A_133 = arith.constant 1 : i32
    %swap3A_134 = arith.index_cast %swap3A_133 : i32 to index
    %swap3A_135 = arith.constant 64 : index
    %swap3A_136 = tpu.vector_load %arg6[%swap3A_134, %swap3A_135] {strides = array<i32>} : memref<16x128xi32, #tpu.memory_space<vmem>>, vector<16xi32>,
    tpu.vector_store %arg6[%swap3A_134, %swap3A_135], %add3A_132 {strides = array<i32>} : memref<16x128xi32, #tpu.memory_space<vmem>>, vector<16xi32>,
    %add3A_137 = arith.constant 2000000 : i32
    %add3A_138 = vector.broadcast %add3A_137 : i32 to vector<16xi32>
    %add3A_139 = arith.addi %get3A_122, %add3A_138 : vector<16xi32>
    %swap3A_140 = arith.constant 2 : i32
    %swap3A_141 = arith.index_cast %swap3A_140 : i32 to index
    %swap3A_142 = arith.constant 64 : index
    %swap3A_143 = tpu.vector_load %arg6[%swap3A_141, %swap3A_142] {strides = array<i32>} : memref<16x128xi32, #tpu.memory_space<vmem>>, vector<16xi32>,
    tpu.vector_store %arg6[%swap3A_141, %swap3A_142], %add3A_139 {strides = array<i32>} : memref<16x128xi32, #tpu.memory_space<vmem>>, vector<16xi32>,
    %add3A_144 = arith.constant 3000000 : i32
    %add3A_145 = vector.broadcast %add3A_144 : i32 to vector<16xi32>
    %add3A_146 = arith.addi %get3A_122, %add3A_145 : vector<16xi32>
    %swap3A_147 = arith.constant 3 : i32
    %swap3A_148 = arith.index_cast %swap3A_147 : i32 to index
    %swap3A_149 = arith.constant 64 : index
    %swap3A_150 = tpu.vector_load %arg6[%swap3A_148, %swap3A_149] {strides = array<i32>} : memref<16x128xi32, #tpu.memory_space<vmem>>, vector<16xi32>,
    tpu.vector_store %arg6[%swap3A_148, %swap3A_149], %add3A_146 {strides = array<i32>} : memref<16x128xi32, #tpu.memory_space<vmem>>, vector<16xi32>,
    %get3A_151 = arith.constant 80 : index
    %get3A_152 = tpu.vector_load %arg5[%get3A_151] {strides = array<i32>} : memref<512xi32, #tpu.memory_space<vmem>>, vector<16xi32>,
    %add3A_153 = arith.constant 0 : i32
    %add3A_154 = vector.broadcast %add3A_153 : i32 to vector<16xi32>
    %add3A_155 = arith.addi %get3A_152, %add3A_154 : vector<16xi32>
    %swap3A_156 = arith.constant 0 : i32
    %swap3A_157 = arith.index_cast %swap3A_156 : i32 to index
    %swap3A_158 = arith.constant 80 : index
    %swap3A_159 = tpu.vector_load %arg6[%swap3A_157, %swap3A_158] {strides = array<i32>} : memref<16x128xi32, #tpu.memory_space<vmem>>, vector<16xi32>,
    tpu.vector_store %arg6[%swap3A_157, %swap3A_158], %add3A_155 {strides = array<i32>} : memref<16x128xi32, #tpu.memory_space<vmem>>, vector<16xi32>,
    %add3A_160 = arith.constant 1000000 : i32
    %add3A_161 = vector.broadcast %add3A_160 : i32 to vector<16xi32>
    %add3A_162 = arith.addi %get3A_152, %add3A_161 : vector<16xi32>
    %swap3A_163 = arith.constant 1 : i32
    %swap3A_164 = arith.index_cast %swap3A_163 : i32 to index
    %swap3A_165 = arith.constant 80 : index
    %swap3A_166 = tpu.vector_load %arg6[%swap3A_164, %swap3A_165] {strides = array<i32>} : memref<16x128xi32, #tpu.memory_space<vmem>>, vector<16xi32>,
    tpu.vector_store %arg6[%swap3A_164, %swap3A_165], %add3A_162 {strides = array<i32>} : memref<16x128xi32, #tpu.memory_space<vmem>>, vector<16xi32>,
    %add3A_167 = arith.constant 2000000 : i32
    %add3A_168 = vector.broadcast %add3A_167 : i32 to vector<16xi32>
    %add3A_169 = arith.addi %get3A_152, %add3A_168 : vector<16xi32>
    %swap3A_170 = arith.constant 2 : i32
    %swap3A_171 = arith.index_cast %swap3A_170 : i32 to index
    %swap3A_172 = arith.constant 80 : index
    %swap3A_173 = tpu.vector_load %arg6[%swap3A_171, %swap3A_172] {strides = array<i32>} : memref<16x128xi32, #tpu.memory_space<vmem>>, vector<16xi32>,
    tpu.vector_store %arg6[%swap3A_171, %swap3A_172], %add3A_169 {strides = array<i32>} : memref<16x128xi32, #tpu.memory_space<vmem>>, vector<16xi32>,
    %add3A_174 = arith.constant 3000000 : i32
    %add3A_175 = vector.broadcast %add3A_174 : i32 to vector<16xi32>
    %add3A_176 = arith.addi %get3A_152, %add3A_175 : vector<16xi32>
    %swap3A_177 = arith.constant 3 : i32
    %swap3A_178 = arith.index_cast %swap3A_177 : i32 to index
    %swap3A_179 = arith.constant 80 : index
    %swap3A_180 = tpu.vector_load %arg6[%swap3A_178, %swap3A_179] {strides = array<i32>} : memref<16x128xi32, #tpu.memory_space<vmem>>, vector<16xi32>,
    tpu.vector_store %arg6[%swap3A_178, %swap3A_179], %add3A_176 {strides = array<i32>} : memref<16x128xi32, #tpu.memory_space<vmem>>, vector<16xi32>,
    %get3A_181 = arith.constant 96 : index
    %get3A_182 = tpu.vector_load %arg5[%get3A_181] {strides = array<i32>} : memref<512xi32, #tpu.memory_space<vmem>>, vector<16xi32>,
    %add3A_183 = arith.constant 0 : i32
    %add3A_184 = vector.broadcast %add3A_183 : i32 to vector<16xi32>
    %add3A_185 = arith.addi %get3A_182, %add3A_184 : vector<16xi32>
    %swap3A_186 = arith.constant 0 : i32
    %swap3A_187 = arith.index_cast %swap3A_186 : i32 to index
    %swap3A_188 = arith.constant 96 : index
    %swap3A_189 = tpu.vector_load %arg6[%swap3A_187, %swap3A_188] {strides = array<i32>} : memref<16x128xi32, #tpu.memory_space<vmem>>, vector<16xi32>,
    tpu.vector_store %arg6[%swap3A_187, %swap3A_188], %add3A_185 {strides = array<i32>} : memref<16x128xi32, #tpu.memory_space<vmem>>, vector<16xi32>,
    %add3A_190 = arith.constant 1000000 : i32
    %add3A_191 = vector.broadcast %add3A_190 : i32 to vector<16xi32>
    %add3A_192 = arith.addi %get3A_182, %add3A_191 : vector<16xi32>
    %swap3A_193 = arith.constant 1 : i32
    %swap3A_194 = arith.index_cast %swap3A_193 : i32 to index
    %swap3A_195 = arith.constant 96 : index
    %swap3A_196 = tpu.vector_load %arg6[%swap3A_194, %swap3A_195] {strides = array<i32>} : memref<16x128xi32, #tpu.memory_space<vmem>>, vector<16xi32>,
    tpu.vector_store %arg6[%swap3A_194, %swap3A_195], %add3A_192 {strides = array<i32>} : memref<16x128xi32, #tpu.memory_space<vmem>>, vector<16xi32>,
    %add3A_197 = arith.constant 2000000 : i32
    %add3A_198 = vector.broadcast %add3A_197 : i32 to vector<16xi32>
    %add3A_199 = arith.addi %get3A_182, %add3A_198 : vector<16xi32>
    %swap3A_200 = arith.constant 2 : i32
    %swap3A_201 = arith.index_cast %swap3A_200 : i32 to index
    %swap3A_202 = arith.constant 96 : index
    %swap3A_203 = tpu.vector_load %arg6[%swap3A_201, %swap3A_202] {strides = array<i32>} : memref<16x128xi32, #tpu.memory_space<vmem>>, vector<16xi32>,
    tpu.vector_store %arg6[%swap3A_201, %swap3A_202], %add3A_199 {strides = array<i32>} : memref<16x128xi32, #tpu.memory_space<vmem>>, vector<16xi32>,
    %add3A_204 = arith.constant 3000000 : i32
    %add3A_205 = vector.broadcast %add3A_204 : i32 to vector<16xi32>
    %add3A_206 = arith.addi %get3A_182, %add3A_205 : vector<16xi32>
    %swap3A_207 = arith.constant 3 : i32
    %swap3A_208 = arith.index_cast %swap3A_207 : i32 to index
    %swap3A_209 = arith.constant 96 : index
    %swap3A_210 = tpu.vector_load %arg6[%swap3A_208, %swap3A_209] {strides = array<i32>} : memref<16x128xi32, #tpu.memory_space<vmem>>, vector<16xi32>,
    tpu.vector_store %arg6[%swap3A_208, %swap3A_209], %add3A_206 {strides = array<i32>} : memref<16x128xi32, #tpu.memory_space<vmem>>, vector<16xi32>,
    %get3A_211 = arith.constant 112 : index
    %get3A_212 = tpu.vector_load %arg5[%get3A_211] {strides = array<i32>} : memref<512xi32, #tpu.memory_space<vmem>>, vector<16xi32>,
    %add3A_213 = arith.constant 0 : i32
    %add3A_214 = vector.broadcast %add3A_213 : i32 to vector<16xi32>
    %add3A_215 = arith.addi %get3A_212, %add3A_214 : vector<16xi32>
    %swap3A_216 = arith.constant 0 : i32
    %swap3A_217 = arith.index_cast %swap3A_216 : i32 to index
    %swap3A_218 = arith.constant 112 : index
    %swap3A_219 = tpu.vector_load %arg6[%swap3A_217, %swap3A_218] {strides = array<i32>} : memref<16x128xi32, #tpu.memory_space<vmem>>, vector<16xi32>,
    tpu.vector_store %arg6[%swap3A_217, %swap3A_218], %add3A_215 {strides = array<i32>} : memref<16x128xi32, #tpu.memory_space<vmem>>, vector<16xi32>,
    %add3A_220 = arith.constant 1000000 : i32
    %add3A_221 = vector.broadcast %add3A_220 : i32 to vector<16xi32>
    %add3A_222 = arith.addi %get3A_212, %add3A_221 : vector<16xi32>
    %swap3A_223 = arith.constant 1 : i32
    %swap3A_224 = arith.index_cast %swap3A_223 : i32 to index
    %swap3A_225 = arith.constant 112 : index
    %swap3A_226 = tpu.vector_load %arg6[%swap3A_224, %swap3A_225] {strides = array<i32>} : memref<16x128xi32, #tpu.memory_space<vmem>>, vector<16xi32>,
    tpu.vector_store %arg6[%swap3A_224, %swap3A_225], %add3A_222 {strides = array<i32>} : memref<16x128xi32, #tpu.memory_space<vmem>>, vector<16xi32>,
    %add3A_227 = arith.constant 2000000 : i32
    %add3A_228 = vector.broadcast %add3A_227 : i32 to vector<16xi32>
    %add3A_229 = arith.addi %get3A_212, %add3A_228 : vector<16xi32>
    %swap3A_230 = arith.constant 2 : i32
    %swap3A_231 = arith.index_cast %swap3A_230 : i32 to index
    %swap3A_232 = arith.constant 112 : index
    %swap3A_233 = tpu.vector_load %arg6[%swap3A_231, %swap3A_232] {strides = array<i32>} : memref<16x128xi32, #tpu.memory_space<vmem>>, vector<16xi32>,
    tpu.vector_store %arg6[%swap3A_231, %swap3A_232], %add3A_229 {strides = array<i32>} : memref<16x128xi32, #tpu.memory_space<vmem>>, vector<16xi32>,
    %add3A_234 = arith.constant 3000000 : i32
    %add3A_235 = vector.broadcast %add3A_234 : i32 to vector<16xi32>
    %add3A_236 = arith.addi %get3A_212, %add3A_235 : vector<16xi32>
    %swap3A_237 = arith.constant 3 : i32
    %swap3A_238 = arith.index_cast %swap3A_237 : i32 to index
    %swap3A_239 = arith.constant 112 : index
    %swap3A_240 = tpu.vector_load %arg6[%swap3A_238, %swap3A_239] {strides = array<i32>} : memref<16x128xi32, #tpu.memory_space<vmem>>, vector<16xi32>,
    tpu.vector_store %arg6[%swap3A_238, %swap3A_239], %add3A_236 {strides = array<i32>} : memref<16x128xi32, #tpu.memory_space<vmem>>, vector<16xi32>,
    %dma_start3A = arith.constant 0 : i32
    %dma_start3A_241 = arith.constant 0 : i32
    %dma_start3A_242 = arith.constant 0 : i32
    %dma_start3A_243 = tpu.memref_slice %arg7[%dma_start3A_241, %dma_start3A_242] : memref<16x128xf32, #tpu.memory_space<vmem>> -> memref<1x128xf32, #tpu.memory_space<vmem>>
    %dma_start3A_244 = tpu.memref_squeeze %dma_start3A_243 : memref<1x128xf32, #tpu.memory_space<vmem>> -> memref<128xf32, #tpu.memory_space<vmem>>
    %dma_start3A_245 = arith.constant 0 : i32
    %dma_start3A_246 = tpu.memref_slice %arg6[%dma_start3A, %dma_start3A_245] : memref<16x128xi32, #tpu.memory_space<vmem>> -> memref<1x128xi32, #tpu.memory_space<vmem>>
    %dma_start3A_247 = tpu.memref_squeeze %dma_start3A_246 : memref<1x128xi32, #tpu.memory_space<vmem>> -> memref<128xi32, #tpu.memory_space<vmem>>
    %dma_start3A_248 = arith.constant 0 : i32
    %dma_start3A_249 = tpu.memref_slice %arg3[%dma_start3A_248] : memref<4000000xf32, #tpu.memory_space<hbm>> -> memref<4000000xf32, #tpu.memory_space<hbm>>
    tpu.enqueue_indirect_dma source(%dma_start3A_249 : memref<4000000xf32, #tpu.memory_space<hbm>>) target(%dma_start3A_244 : memref<128xf32, #tpu.memory_space<vmem>>) offsets(%dma_start3A_247 : memref<128xi32, #tpu.memory_space<vmem>>) semaphore(%arg8 : memref<!tpu.dma_semaphore, #tpu.memory_space<semaphore_mem>>)
    %dma_start3A_250 = arith.constant 1 : i32
    %dma_start3A_251 = arith.constant 1 : i32
    %dma_start3A_252 = arith.constant 0 : i32
    %dma_start3A_253 = tpu.memref_slice %arg7[%dma_start3A_251, %dma_start3A_252] : memref<16x128xf32, #tpu.memory_space<vmem>> -> memref<1x128xf32, #tpu.memory_space<vmem>>
    %dma_start3A_254 = tpu.memref_squeeze %dma_start3A_253 : memref<1x128xf32, #tpu.memory_space<vmem>> -> memref<128xf32, #tpu.memory_space<vmem>>
    %dma_start3A_255 = arith.constant 0 : i32
    %dma_start3A_256 = tpu.memref_slice %arg6[%dma_start3A_250, %dma_start3A_255] : memref<16x128xi32, #tpu.memory_space<vmem>> -> memref<1x128xi32, #tpu.memory_space<vmem>>
    %dma_start3A_257 = tpu.memref_squeeze %dma_start3A_256 : memref<1x128xi32, #tpu.memory_space<vmem>> -> memref<128xi32, #tpu.memory_space<vmem>>
    %dma_start3A_258 = arith.constant 0 : i32
    %dma_start3A_259 = tpu.memref_slice %arg3[%dma_start3A_258] : memref<4000000xf32, #tpu.memory_space<hbm>> -> memref<4000000xf32, #tpu.memory_space<hbm>>
    tpu.enqueue_indirect_dma source(%dma_start3A_259 : memref<4000000xf32, #tpu.memory_space<hbm>>) target(%dma_start3A_254 : memref<128xf32, #tpu.memory_space<vmem>>) offsets(%dma_start3A_257 : memref<128xi32, #tpu.memory_space<vmem>>) semaphore(%arg8 : memref<!tpu.dma_semaphore, #tpu.memory_space<semaphore_mem>>)
    %dma_start3A_260 = arith.constant 2 : i32
    %dma_start3A_261 = arith.constant 2 : i32
    %dma_start3A_262 = arith.constant 0 : i32
    %dma_start3A_263 = tpu.memref_slice %arg7[%dma_start3A_261, %dma_start3A_262] : memref<16x128xf32, #tpu.memory_space<vmem>> -> memref<1x128xf32, #tpu.memory_space<vmem>>
    %dma_start3A_264 = tpu.memref_squeeze %dma_start3A_263 : memref<1x128xf32, #tpu.memory_space<vmem>> -> memref<128xf32, #tpu.memory_space<vmem>>
    %dma_start3A_265 = arith.constant 0 : i32
    %dma_start3A_266 = tpu.memref_slice %arg6[%dma_start3A_260, %dma_start3A_265] : memref<16x128xi32, #tpu.memory_space<vmem>> -> memref<1x128xi32, #tpu.memory_space<vmem>>
    %dma_start3A_267 = tpu.memref_squeeze %dma_start3A_266 : memref<1x128xi32, #tpu.memory_space<vmem>> -> memref<128xi32, #tpu.memory_space<vmem>>
    %dma_start3A_268 = arith.constant 0 : i32
    %dma_start3A_269 = tpu.memref_slice %arg3[%dma_start3A_268] : memref<4000000xf32, #tpu.memory_space<hbm>> -> memref<4000000xf32, #tpu.memory_space<hbm>>
    tpu.enqueue_indirect_dma source(%dma_start3A_269 : memref<4000000xf32, #tpu.memory_space<hbm>>) target(%dma_start3A_264 : memref<128xf32, #tpu.memory_space<vmem>>) offsets(%dma_start3A_267 : memref<128xi32, #tpu.memory_space<vmem>>) semaphore(%arg8 : memref<!tpu.dma_semaphore, #tpu.memory_space<semaphore_mem>>)
    %dma_start3A_270 = arith.constant 3 : i32
    %dma_start3A_271 = arith.constant 3 : i32
    %dma_start3A_272 = arith.constant 0 : i32
    %dma_start3A_273 = tpu.memref_slice %arg7[%dma_start3A_271, %dma_start3A_272] : memref<16x128xf32, #tpu.memory_space<vmem>> -> memref<1x128xf32, #tpu.memory_space<vmem>>
    %dma_start3A_274 = tpu.memref_squeeze %dma_start3A_273 : memref<1x128xf32, #tpu.memory_space<vmem>> -> memref<128xf32, #tpu.memory_space<vmem>>
    %dma_start3A_275 = arith.constant 0 : i32
    %dma_start3A_276 = tpu.memref_slice %arg6[%dma_start3A_270, %dma_start3A_275] : memref<16x128xi32, #tpu.memory_space<vmem>> -> memref<1x128xi32, #tpu.memory_space<vmem>>
    %dma_start3A_277 = tpu.memref_squeeze %dma_start3A_276 : memref<1x128xi32, #tpu.memory_space<vmem>> -> memref<128xi32, #tpu.memory_space<vmem>>
    %dma_start3A_278 = arith.constant 0 : i32
    %dma_start3A_279 = tpu.memref_slice %arg3[%dma_start3A_278] : memref<4000000xf32, #tpu.memory_space<hbm>> -> memref<4000000xf32, #tpu.memory_space<hbm>>
    tpu.enqueue_indirect_dma source(%dma_start3A_279 : memref<4000000xf32, #tpu.memory_space<hbm>>) target(%dma_start3A_274 : memref<128xf32, #tpu.memory_space<vmem>>) offsets(%dma_start3A_277 : memref<128xi32, #tpu.memory_space<vmem>>) semaphore(%arg8 : memref<!tpu.dma_semaphore, #tpu.memory_space<semaphore_mem>>)
    %get3A_280 = arith.constant 128 : index
    %get3A_281 = tpu.vector_load %arg5[%get3A_280] {strides = array<i32>} : memref<512xi32, #tpu.memory_space<vmem>>, vector<16xi32>,
    %add3A_282 = arith.constant 0 : i32
    %add3A_283 = vector.broadcast %add3A_282 : i32 to vector<16xi32>
    %add3A_284 = arith.addi %get3A_281, %add3A_283 : vector<16xi32>
    %swap3A_285 = arith.constant 4 : i32
    %swap3A_286 = arith.index_cast %swap3A_285 : i32 to index
    %swap3A_287 = arith.constant 0 : index
    %swap3A_288 = tpu.vector_load %arg6[%swap3A_286, %swap3A_287] {strides = array<i32>} : memref<16x128xi32, #tpu.memory_space<vmem>>, vector<16xi32>,
    tpu.vector_store %arg6[%swap3A_286, %swap3A_287], %add3A_284 {strides = array<i32>} : memref<16x128xi32, #tpu.memory_space<vmem>>, vector<16xi32>,
    %add3A_289 = arith.constant 1000000 : i32
    %add3A_290 = vector.broadcast %add3A_289 : i32 to vector<16xi32>
    %add3A_291 = arith.addi %get3A_281, %add3A_290 : vector<16xi32>
    %swap3A_292 = arith.constant 5 : i32
    %swap3A_293 = arith.index_cast %swap3A_292 : i32 to index
    %swap3A_294 = arith.constant 0 : index
    %swap3A_295 = tpu.vector_load %arg6[%swap3A_293, %swap3A_294] {strides = array<i32>} : memref<16x128xi32, #tpu.memory_space<vmem>>, vector<16xi32>,
    tpu.vector_store %arg6[%swap3A_293, %swap3A_294], %add3A_291 {strides = array<i32>} : memref<16x128xi32, #tpu.memory_space<vmem>>, vector<16xi32>,
    %add3A_296 = arith.constant 2000000 : i32
    %add3A_297 = vector.broadcast %add3A_296 : i32 to vector<16xi32>
    %add3A_298 = arith.addi %get3A_281, %add3A_297 : vector<16xi32>
    %swap3A_299 = arith.constant 6 : i32
    %swap3A_300 = arith.index_cast %swap3A_299 : i32 to index
    %swap3A_301 = arith.constant 0 : index
    %swap3A_302 = tpu.vector_load %arg6[%swap3A_300, %swap3A_301] {strides = array<i32>} : memref<16x128xi32, #tpu.memory_space<vmem>>, vector<16xi32>,
    tpu.vector_store %arg6[%swap3A_300, %swap3A_301], %add3A_298 {strides = array<i32>} : memref<16x128xi32, #tpu.memory_space<vmem>>, vector<16xi32>,
    %add3A_303 = arith.constant 3000000 : i32
    %add3A_304 = vector.broadcast %add3A_303 : i32 to vector<16xi32>
    %add3A_305 = arith.addi %get3A_281, %add3A_304 : vector<16xi32>
    %swap3A_306 = arith.constant 7 : i32
    %swap3A_307 = arith.index_cast %swap3A_306 : i32 to index
    %swap3A_308 = arith.constant 0 : index
    %swap3A_309 = tpu.vector_load %arg6[%swap3A_307, %swap3A_308] {strides = array<i32>} : memref<16x128xi32, #tpu.memory_space<vmem>>, vector<16xi32>,
    tpu.vector_store %arg6[%swap3A_307, %swap3A_308], %add3A_305 {strides = array<i32>} : memref<16x128xi32, #tpu.memory_space<vmem>>, vector<16xi32>,
    %get3A_310 = arith.constant 144 : index
    %get3A_311 = tpu.vector_load %arg5[%get3A_310] {strides = array<i32>} : memref<512xi32, #tpu.memory_space<vmem>>, vector<16xi32>,
    %add3A_312 = arith.constant 0 : i32
    %add3A_313 = vector.broadcast %add3A_312 : i32 to vector<16xi32>
    %add3A_314 = arith.addi %get3A_311, %add3A_313 : vector<16xi32>
    %swap3A_315 = arith.constant 4 : i32
    %swap3A_316 = arith.index_cast %swap3A_315 : i32 to index
    %swap3A_317 = arith.constant 16 : index
    %swap3A_318 = tpu.vector_load %arg6[%swap3A_316, %swap3A_317] {strides = array<i32>} : memref<16x128xi32, #tpu.memory_space<vmem>>, vector<16xi32>,
    tpu.vector_store %arg6[%swap3A_316, %swap3A_317], %add3A_314 {strides = array<i32>} : memref<16x128xi32, #tpu.memory_space<vmem>>, vector<16xi32>,
    %add3A_319 = arith.constant 1000000 : i32
    %add3A_320 = vector.broadcast %add3A_319 : i32 to vector<16xi32>
    %add3A_321 = arith.addi %get3A_311, %add3A_320 : vector<16xi32>
    %swap3A_322 = arith.constant 5 : i32
    %swap3A_323 = arith.index_cast %swap3A_322 : i32 to index
    %swap3A_324 = arith.constant 16 : index
    %swap3A_325 = tpu.vector_load %arg6[%swap3A_323, %swap3A_324] {strides = array<i32>} : memref<16x128xi32, #tpu.memory_space<vmem>>, vector<16xi32>,
    tpu.vector_store %arg6[%swap3A_323, %swap3A_324], %add3A_321 {strides = array<i32>} : memref<16x128xi32, #tpu.memory_space<vmem>>, vector<16xi32>,
    %add3A_326 = arith.constant 2000000 : i32
    %add3A_327 = vector.broadcast %add3A_326 : i32 to vector<16xi32>
    %add3A_328 = arith.addi %get3A_311, %add3A_327 : vector<16xi32>
    %swap3A_329 = arith.constant 6 : i32
    %swap3A_330 = arith.index_cast %swap3A_329 : i32 to index
    %swap3A_331 = arith.constant 16 : index
    %swap3A_332 = tpu.vector_load %arg6[%swap3A_330, %swap3A_331] {strides = array<i32>} : memref<16x128xi32, #tpu.memory_space<vmem>>, vector<16xi32>,
    tpu.vector_store %arg6[%swap3A_330, %swap3A_331], %add3A_328 {strides = array<i32>} : memref<16x128xi32, #tpu.memory_space<vmem>>, vector<16xi32>,
    %add3A_333 = arith.constant 3000000 : i32
    %add3A_334 = vector.broadcast %add3A_333 : i32 to vector<16xi32>
    %add3A_335 = arith.addi %get3A_311, %add3A_334 : vector<16xi32>
    %swap3A_336 = arith.constant 7 : i32
    %swap3A_337 = arith.index_cast %swap3A_336 : i32 to index
    %swap3A_338 = arith.constant 16 : index
    %swap3A_339 = tpu.vector_load %arg6[%swap3A_337, %swap3A_338] {strides = array<i32>} : memref<16x128xi32, #tpu.memory_space<vmem>>, vector<16xi32>,
    tpu.vector_store %arg6[%swap3A_337, %swap3A_338], %add3A_335 {strides = array<i32>} : memref<16x128xi32, #tpu.memory_space<vmem>>, vector<16xi32>,
    %get3A_340 = arith.constant 160 : index
    %get3A_341 = tpu.vector_load %arg5[%get3A_340] {strides = array<i32>} : memref<512xi32, #tpu.memory_space<vmem>>, vector<16xi32>,
    %add3A_342 = arith.constant 0 : i32
    %add3A_343 = vector.broadcast %add3A_342 : i32 to vector<16xi32>
    %add3A_344 = arith.addi %get3A_341, %add3A_343 : vector<16xi32>
    %swap3A_345 = arith.constant 4 : i32
    %swap3A_346 = arith.index_cast %swap3A_345 : i32 to index
    %swap3A_347 = arith.constant 32 : index
    %swap3A_348 = tpu.vector_load %arg6[%swap3A_346, %swap3A_347] {strides = array<i32>} : memref<16x128xi32, #tpu.memory_space<vmem>>, vector<16xi32>,
    tpu.vector_store %arg6[%swap3A_346, %swap3A_347], %add3A_344 {strides = array<i32>} : memref<16x128xi32, #tpu.memory_space<vmem>>, vector<16xi32>,
    %add3A_349 = arith.constant 1000000 : i32
    %add3A_350 = vector.broadcast %add3A_349 : i32 to vector<16xi32>
    %add3A_351 = arith.addi %get3A_341, %add3A_350 : vector<16xi32>
    %swap3A_352 = arith.constant 5 : i32
    %swap3A_353 = arith.index_cast %swap3A_352 : i32 to index
    %swap3A_354 = arith.constant 32 : index
    %swap3A_355 = tpu.vector_load %arg6[%swap3A_353, %swap3A_354] {strides = array<i32>} : memref<16x128xi32, #tpu.memory_space<vmem>>, vector<16xi32>,
    tpu.vector_store %arg6[%swap3A_353, %swap3A_354], %add3A_351 {strides = array<i32>} : memref<16x128xi32, #tpu.memory_space<vmem>>, vector<16xi32>,
    %add3A_356 = arith.constant 2000000 : i32
    %add3A_357 = vector.broadcast %add3A_356 : i32 to vector<16xi32>
    %add3A_358 = arith.addi %get3A_341, %add3A_357 : vector<16xi32>
    %swap3A_359 = arith.constant 6 : i32
    %swap3A_360 = arith.index_cast %swap3A_359 : i32 to index
    %swap3A_361 = arith.constant 32 : index
    %swap3A_362 = tpu.vector_load %arg6[%swap3A_360, %swap3A_361] {strides = array<i32>} : memref<16x128xi32, #tpu.memory_space<vmem>>, vector<16xi32>,
    tpu.vector_store %arg6[%swap3A_360, %swap3A_361], %add3A_358 {strides = array<i32>} : memref<16x128xi32, #tpu.memory_space<vmem>>, vector<16xi32>,
    %add3A_363 = arith.constant 3000000 : i32
    %add3A_364 = vector.broadcast %add3A_363 : i32 to vector<16xi32>
    %add3A_365 = arith.addi %get3A_341, %add3A_364 : vector<16xi32>
    %swap3A_366 = arith.constant 7 : i32
    %swap3A_367 = arith.index_cast %swap3A_366 : i32 to index
    %swap3A_368 = arith.constant 32 : index
    %swap3A_369 = tpu.vector_load %arg6[%swap3A_367, %swap3A_368] {strides = array<i32>} : memref<16x128xi32, #tpu.memory_space<vmem>>, vector<16xi32>,
    tpu.vector_store %arg6[%swap3A_367, %swap3A_368], %add3A_365 {strides = array<i32>} : memref<16x128xi32, #tpu.memory_space<vmem>>, vector<16xi32>,
    %get3A_370 = arith.constant 176 : index
    %get3A_371 = tpu.vector_load %arg5[%get3A_370] {strides = array<i32>} : memref<512xi32, #tpu.memory_space<vmem>>, vector<16xi32>,
    %add3A_372 = arith.constant 0 : i32
    %add3A_373 = vector.broadcast %add3A_372 : i32 to vector<16xi32>
    %add3A_374 = arith.addi %get3A_371, %add3A_373 : vector<16xi32>
    %swap3A_375 = arith.constant 4 : i32
    %swap3A_376 = arith.index_cast %swap3A_375 : i32 to index
    %swap3A_377 = arith.constant 48 : index
    %swap3A_378 = tpu.vector_load %arg6[%swap3A_376, %swap3A_377] {strides = array<i32>} : memref<16x128xi32, #tpu.memory_space<vmem>>, vector<16xi32>,
    tpu.vector_store %arg6[%swap3A_376, %swap3A_377], %add3A_374 {strides = array<i32>} : memref<16x128xi32, #tpu.memory_space<vmem>>, vector<16xi32>,
    %add3A_379 = arith.constant 1000000 : i32
    %add3A_380 = vector.broadcast %add3A_379 : i32 to vector<16xi32>
    %add3A_381 = arith.addi %get3A_371, %add3A_380 : vector<16xi32>
    %swap3A_382 = arith.constant 5 : i32
    %swap3A_383 = arith.index_cast %swap3A_382 : i32 to index
    %swap3A_384 = arith.constant 48 : index
    %swap3A_385 = tpu.vector_load %arg6[%swap3A_383, %swap3A_384] {strides = array<i32>} : memref<16x128xi32, #tpu.memory_space<vmem>>, vector<16xi32>,
    tpu.vector_store %arg6[%swap3A_383, %swap3A_384], %add3A_381 {strides = array<i32>} : memref<16x128xi32, #tpu.memory_space<vmem>>, vector<16xi32>,
    %add3A_386 = arith.constant 2000000 : i32
    %add3A_387 = vector.broadcast %add3A_386 : i32 to vector<16xi32>
    %add3A_388 = arith.addi %get3A_371, %add3A_387 : vector<16xi32>
    %swap3A_389 = arith.constant 6 : i32
    %swap3A_390 = arith.index_cast %swap3A_389 : i32 to index
    %swap3A_391 = arith.constant 48 : index
    %swap3A_392 = tpu.vector_load %arg6[%swap3A_390, %swap3A_391] {strides = array<i32>} : memref<16x128xi32, #tpu.memory_space<vmem>>, vector<16xi32>,
    tpu.vector_store %arg6[%swap3A_390, %swap3A_391], %add3A_388 {strides = array<i32>} : memref<16x128xi32, #tpu.memory_space<vmem>>, vector<16xi32>,
    %add3A_393 = arith.constant 3000000 : i32
    %add3A_394 = vector.broadcast %add3A_393 : i32 to vector<16xi32>
    %add3A_395 = arith.addi %get3A_371, %add3A_394 : vector<16xi32>
    %swap3A_396 = arith.constant 7 : i32
    %swap3A_397 = arith.index_cast %swap3A_396 : i32 to index
    %swap3A_398 = arith.constant 48 : index
    %swap3A_399 = tpu.vector_load %arg6[%swap3A_397, %swap3A_398] {strides = array<i32>} : memref<16x128xi32, #tpu.memory_space<vmem>>, vector<16xi32>,
    tpu.vector_store %arg6[%swap3A_397, %swap3A_398], %add3A_395 {strides = array<i32>} : memref<16x128xi32, #tpu.memory_space<vmem>>, vector<16xi32>,
    %get3A_400 = arith.constant 192 : index
    %get3A_401 = tpu.vector_load %arg5[%get3A_400] {strides = array<i32>} : memref<512xi32, #tpu.memory_space<vmem>>, vector<16xi32>,
    %add3A_402 = arith.constant 0 : i32
    %add3A_403 = vector.broadcast %add3A_402 : i32 to vector<16xi32>
    %add3A_404 = arith.addi %get3A_401, %add3A_403 : vector<16xi32>
    %swap3A_405 = arith.constant 4 : i32
    %swap3A_406 = arith.index_cast %swap3A_405 : i32 to index
    %swap3A_407 = arith.constant 64 : index
    %swap3A_408 = tpu.vector_load %arg6[%swap3A_406, %swap3A_407] {strides = array<i32>} : memref<16x128xi32, #tpu.memory_space<vmem>>, vector<16xi32>,
    tpu.vector_store %arg6[%swap3A_406, %swap3A_407], %add3A_404 {strides = array<i32>} : memref<16x128xi32, #tpu.memory_space<vmem>>, vector<16xi32>,
    %add3A_409 = arith.constant 1000000 : i32
    %add3A_410 = vector.broadcast %add3A_409 : i32 to vector<16xi32>
    %add3A_411 = arith.addi %get3A_401, %add3A_410 : vector<16xi32>
    %swap3A_412 = arith.constant 5 : i32
    %swap3A_413 = arith.index_cast %swap3A_412 : i32 to index
    %swap3A_414 = arith.constant 64 : index
    %swap3A_415 = tpu.vector_load %arg6[%swap3A_413, %swap3A_414] {strides = array<i32>} : memref<16x128xi32, #tpu.memory_space<vmem>>, vector<16xi32>,
    tpu.vector_store %arg6[%swap3A_413, %swap3A_414], %add3A_411 {strides = array<i32>} : memref<16x128xi32, #tpu.memory_space<vmem>>, vector<16xi32>,
    %add3A_416 = arith.constant 2000000 : i32
    %add3A_417 = vector.broadcast %add3A_416 : i32 to vector<16xi32>
    %add3A_418 = arith.addi %get3A_401, %add3A_417 : vector<16xi32>
    %swap3A_419 = arith.constant 6 : i32
    %swap3A_420 = arith.index_cast %swap3A_419 : i32 to index
    %swap3A_421 = arith.constant 64 : index
    %swap3A_422 = tpu.vector_load %arg6[%swap3A_420, %swap3A_421] {strides = array<i32>} : memref<16x128xi32, #tpu.memory_space<vmem>>, vector<16xi32>,
    tpu.vector_store %arg6[%swap3A_420, %swap3A_421], %add3A_418 {strides = array<i32>} : memref<16x128xi32, #tpu.memory_space<vmem>>, vector<16xi32>,
    %add3A_423 = arith.constant 3000000 : i32
    %add3A_424 = vector.broadcast %add3A_423 : i32 to vector<16xi32>
    %add3A_425 = arith.addi %get3A_401, %add3A_424 : vector<16xi32>
    %swap3A_426 = arith.constant 7 : i32
    %swap3A_427 = arith.index_cast %swap3A_426 : i32 to index
    %swap3A_428 = arith.constant 64 : index
    %swap3A_429 = tpu.vector_load %arg6[%swap3A_427, %swap3A_428] {strides = array<i32>} : memref<16x128xi32, #tpu.memory_space<vmem>>, vector<16xi32>,
    tpu.vector_store %arg6[%swap3A_427, %swap3A_428], %add3A_425 {strides = array<i32>} : memref<16x128xi32, #tpu.memory_space<vmem>>, vector<16xi32>,
    %get3A_430 = arith.constant 208 : index
    %get3A_431 = tpu.vector_load %arg5[%get3A_430] {strides = array<i32>} : memref<512xi32, #tpu.memory_space<vmem>>, vector<16xi32>,
    %add3A_432 = arith.constant 0 : i32
    %add3A_433 = vector.broadcast %add3A_432 : i32 to vector<16xi32>
    %add3A_434 = arith.addi %get3A_431, %add3A_433 : vector<16xi32>
    %swap3A_435 = arith.constant 4 : i32
    %swap3A_436 = arith.index_cast %swap3A_435 : i32 to index
    %swap3A_437 = arith.constant 80 : index
    %swap3A_438 = tpu.vector_load %arg6[%swap3A_436, %swap3A_437] {strides = array<i32>} : memref<16x128xi32, #tpu.memory_space<vmem>>, vector<16xi32>,
    tpu.vector_store %arg6[%swap3A_436, %swap3A_437], %add3A_434 {strides = array<i32>} : memref<16x128xi32, #tpu.memory_space<vmem>>, vector<16xi32>,
    %add3A_439 = arith.constant 1000000 : i32
    %add3A_440 = vector.broadcast %add3A_439 : i32 to vector<16xi32>
    %add3A_441 = arith.addi %get3A_431, %add3A_440 : vector<16xi32>
    %swap3A_442 = arith.constant 5 : i32
    %swap3A_443 = arith.index_cast %swap3A_442 : i32 to index
    %swap3A_444 = arith.constant 80 : index
    %swap3A_445 = tpu.vector_load %arg6[%swap3A_443, %swap3A_444] {strides = array<i32>} : memref<16x128xi32, #tpu.memory_space<vmem>>, vector<16xi32>,
    tpu.vector_store %arg6[%swap3A_443, %swap3A_444], %add3A_441 {strides = array<i32>} : memref<16x128xi32, #tpu.memory_space<vmem>>, vector<16xi32>,
    %add3A_446 = arith.constant 2000000 : i32
    %add3A_447 = vector.broadcast %add3A_446 : i32 to vector<16xi32>
    %add3A_448 = arith.addi %get3A_431, %add3A_447 : vector<16xi32>
    %swap3A_449 = arith.constant 6 : i32
    %swap3A_450 = arith.index_cast %swap3A_449 : i32 to index
    %swap3A_451 = arith.constant 80 : index
    %swap3A_452 = tpu.vector_load %arg6[%swap3A_450, %swap3A_451] {strides = array<i32>} : memref<16x128xi32, #tpu.memory_space<vmem>>, vector<16xi32>,
    tpu.vector_store %arg6[%swap3A_450, %swap3A_451], %add3A_448 {strides = array<i32>} : memref<16x128xi32, #tpu.memory_space<vmem>>, vector<16xi32>,
    %add3A_453 = arith.constant 3000000 : i32
    %add3A_454 = vector.broadcast %add3A_453 : i32 to vector<16xi32>
    %add3A_455 = arith.addi %get3A_431, %add3A_454 : vector<16xi32>
    %swap3A_456 = arith.constant 7 : i32
    %swap3A_457 = arith.index_cast %swap3A_456 : i32 to index
    %swap3A_458 = arith.constant 80 : index
    %swap3A_459 = tpu.vector_load %arg6[%swap3A_457, %swap3A_458] {strides = array<i32>} : memref<16x128xi32, #tpu.memory_space<vmem>>, vector<16xi32>,
    tpu.vector_store %arg6[%swap3A_457, %swap3A_458], %add3A_455 {strides = array<i32>} : memref<16x128xi32, #tpu.memory_space<vmem>>, vector<16xi32>,
    %get3A_460 = arith.constant 224 : index
    %get3A_461 = tpu.vector_load %arg5[%get3A_460] {strides = array<i32>} : memref<512xi32, #tpu.memory_space<vmem>>, vector<16xi32>,
    %add3A_462 = arith.constant 0 : i32
    %add3A_463 = vector.broadcast %add3A_462 : i32 to vector<16xi32>
    %add3A_464 = arith.addi %get3A_461, %add3A_463 : vector<16xi32>
    %swap3A_465 = arith.constant 4 : i32
    %swap3A_466 = arith.index_cast %swap3A_465 : i32 to index
    %swap3A_467 = arith.constant 96 : index
    %swap3A_468 = tpu.vector_load %arg6[%swap3A_466, %swap3A_467] {strides = array<i32>} : memref<16x128xi32, #tpu.memory_space<vmem>>, vector<16xi32>,
    tpu.vector_store %arg6[%swap3A_466, %swap3A_467], %add3A_464 {strides = array<i32>} : memref<16x128xi32, #tpu.memory_space<vmem>>, vector<16xi32>,
    %add3A_469 = arith.constant 1000000 : i32
    %add3A_470 = vector.broadcast %add3A_469 : i32 to vector<16xi32>
    %add3A_471 = arith.addi %get3A_461, %add3A_470 : vector<16xi32>
    %swap3A_472 = arith.constant 5 : i32
    %swap3A_473 = arith.index_cast %swap3A_472 : i32 to index
    %swap3A_474 = arith.constant 96 : index
    %swap3A_475 = tpu.vector_load %arg6[%swap3A_473, %swap3A_474] {strides = array<i32>} : memref<16x128xi32, #tpu.memory_space<vmem>>, vector<16xi32>,
    tpu.vector_store %arg6[%swap3A_473, %swap3A_474], %add3A_471 {strides = array<i32>} : memref<16x128xi32, #tpu.memory_space<vmem>>, vector<16xi32>,
    %add3A_476 = arith.constant 2000000 : i32
    %add3A_477 = vector.broadcast %add3A_476 : i32 to vector<16xi32>
    %add3A_478 = arith.addi %get3A_461, %add3A_477 : vector<16xi32>
    %swap3A_479 = arith.constant 6 : i32
    %swap3A_480 = arith.index_cast %swap3A_479 : i32 to index
    %swap3A_481 = arith.constant 96 : index
    %swap3A_482 = tpu.vector_load %arg6[%swap3A_480, %swap3A_481] {strides = array<i32>} : memref<16x128xi32, #tpu.memory_space<vmem>>, vector<16xi32>,
    tpu.vector_store %arg6[%swap3A_480, %swap3A_481], %add3A_478 {strides = array<i32>} : memref<16x128xi32, #tpu.memory_space<vmem>>, vector<16xi32>,
    %add3A_483 = arith.constant 3000000 : i32
    %add3A_484 = vector.broadcast %add3A_483 : i32 to vector<16xi32>
    %add3A_485 = arith.addi %get3A_461, %add3A_484 : vector<16xi32>
    %swap3A_486 = arith.constant 7 : i32
    %swap3A_487 = arith.index_cast %swap3A_486 : i32 to index
    %swap3A_488 = arith.constant 96 : index
    %swap3A_489 = tpu.vector_load %arg6[%swap3A_487, %swap3A_488] {strides = array<i32>} : memref<16x128xi32, #tpu.memory_space<vmem>>, vector<16xi32>,
    tpu.vector_store %arg6[%swap3A_487, %swap3A_488], %add3A_485 {strides = array<i32>} : memref<16x128xi32, #tpu.memory_space<vmem>>, vector<16xi32>,
    %get3A_490 = arith.constant 240 : index
    %get3A_491 = tpu.vector_load %arg5[%get3A_490] {strides = array<i32>} : memref<512xi32, #tpu.memory_space<vmem>>, vector<16xi32>,
    %add3A_492 = arith.constant 0 : i32
    %add3A_493 = vector.broadcast %add3A_492 : i32 to vector<16xi32>
    %add3A_494 = arith.addi %get3A_491, %add3A_493 : vector<16xi32>
    %swap3A_495 = arith.constant 4 : i32
    %swap3A_496 = arith.index_cast %swap3A_495 : i32 to index
    %swap3A_497 = arith.constant 112 : index
    %swap3A_498 = tpu.vector_load %arg6[%swap3A_496, %swap3A_497] {strides = array<i32>} : memref<16x128xi32, #tpu.memory_space<vmem>>, vector<16xi32>,
    tpu.vector_store %arg6[%swap3A_496, %swap3A_497], %add3A_494 {strides = array<i32>} : memref<16x128xi32, #tpu.memory_space<vmem>>, vector<16xi32>,
    %add3A_499 = arith.constant 1000000 : i32
    %add3A_500 = vector.broadcast %add3A_499 : i32 to vector<16xi32>
    %add3A_501 = arith.addi %get3A_491, %add3A_500 : vector<16xi32>
    %swap3A_502 = arith.constant 5 : i32
    %swap3A_503 = arith.index_cast %swap3A_502 : i32 to index
    %swap3A_504 = arith.constant 112 : index
    %swap3A_505 = tpu.vector_load %arg6[%swap3A_503, %swap3A_504] {strides = array<i32>} : memref<16x128xi32, #tpu.memory_space<vmem>>, vector<16xi32>,
    tpu.vector_store %arg6[%swap3A_503, %swap3A_504], %add3A_501 {strides = array<i32>} : memref<16x128xi32, #tpu.memory_space<vmem>>, vector<16xi32>,
    %add3A_506 = arith.constant 2000000 : i32
    %add3A_507 = vector.broadcast %add3A_506 : i32 to vector<16xi32>
    %add3A_508 = arith.addi %get3A_491, %add3A_507 : vector<16xi32>
    %swap3A_509 = arith.constant 6 : i32
    %swap3A_510 = arith.index_cast %swap3A_509 : i32 to index
    %swap3A_511 = arith.constant 112 : index
    %swap3A_512 = tpu.vector_load %arg6[%swap3A_510, %swap3A_511] {strides = array<i32>} : memref<16x128xi32, #tpu.memory_space<vmem>>, vector<16xi32>,
    tpu.vector_store %arg6[%swap3A_510, %swap3A_511], %add3A_508 {strides = array<i32>} : memref<16x128xi32, #tpu.memory_space<vmem>>, vector<16xi32>,
    %add3A_513 = arith.constant 3000000 : i32
    %add3A_514 = vector.broadcast %add3A_513 : i32 to vector<16xi32>
    %add3A_515 = arith.addi %get3A_491, %add3A_514 : vector<16xi32>
    %swap3A_516 = arith.constant 7 : i32
    %swap3A_517 = arith.index_cast %swap3A_516 : i32 to index
    %swap3A_518 = arith.constant 112 : index
    %swap3A_519 = tpu.vector_load %arg6[%swap3A_517, %swap3A_518] {strides = array<i32>} : memref<16x128xi32, #tpu.memory_space<vmem>>, vector<16xi32>,
    tpu.vector_store %arg6[%swap3A_517, %swap3A_518], %add3A_515 {strides = array<i32>} : memref<16x128xi32, #tpu.memory_space<vmem>>, vector<16xi32>,
    %dma_start3A_520 = arith.constant 4 : i32
    %dma_start3A_521 = arith.constant 4 : i32
    %dma_start3A_522 = arith.constant 0 : i32
    %dma_start3A_523 = tpu.memref_slice %arg7[%dma_start3A_521, %dma_start3A_522] : memref<16x128xf32, #tpu.memory_space<vmem>> -> memref<1x128xf32, #tpu.memory_space<vmem>>
    %dma_start3A_524 = tpu.memref_squeeze %dma_start3A_523 : memref<1x128xf32, #tpu.memory_space<vmem>> -> memref<128xf32, #tpu.memory_space<vmem>>
    %dma_start3A_525 = arith.constant 0 : i32
    %dma_start3A_526 = tpu.memref_slice %arg6[%dma_start3A_520, %dma_start3A_525] : memref<16x128xi32, #tpu.memory_space<vmem>> -> memref<1x128xi32, #tpu.memory_space<vmem>>
    %dma_start3A_527 = tpu.memref_squeeze %dma_start3A_526 : memref<1x128xi32, #tpu.memory_space<vmem>> -> memref<128xi32, #tpu.memory_space<vmem>>
    %dma_start3A_528 = arith.constant 0 : i32
    %dma_start3A_529 = tpu.memref_slice %arg3[%dma_start3A_528] : memref<4000000xf32, #tpu.memory_space<hbm>> -> memref<4000000xf32, #tpu.memory_space<hbm>>
    tpu.enqueue_indirect_dma source(%dma_start3A_529 : memref<4000000xf32, #tpu.memory_space<hbm>>) target(%dma_start3A_524 : memref<128xf32, #tpu.memory_space<vmem>>) offsets(%dma_start3A_527 : memref<128xi32, #tpu.memory_space<vmem>>) semaphore(%arg8 : memref<!tpu.dma_semaphore, #tpu.memory_space<semaphore_mem>>)
    %dma_start3A_530 = arith.constant 5 : i32
    %dma_start3A_531 = arith.constant 5 : i32
    %dma_start3A_532 = arith.constant 0 : i32
    %dma_start3A_533 = tpu.memref_slice %arg7[%dma_start3A_531, %dma_start3A_532] : memref<16x128xf32, #tpu.memory_space<vmem>> -> memref<1x128xf32, #tpu.memory_space<vmem>>
    %dma_start3A_534 = tpu.memref_squeeze %dma_start3A_533 : memref<1x128xf32, #tpu.memory_space<vmem>> -> memref<128xf32, #tpu.memory_space<vmem>>
    %dma_start3A_535 = arith.constant 0 : i32
    %dma_start3A_536 = tpu.memref_slice %arg6[%dma_start3A_530, %dma_start3A_535] : memref<16x128xi32, #tpu.memory_space<vmem>> -> memref<1x128xi32, #tpu.memory_space<vmem>>
    %dma_start3A_537 = tpu.memref_squeeze %dma_start3A_536 : memref<1x128xi32, #tpu.memory_space<vmem>> -> memref<128xi32, #tpu.memory_space<vmem>>
    %dma_start3A_538 = arith.constant 0 : i32
    %dma_start3A_539 = tpu.memref_slice %arg3[%dma_start3A_538] : memref<4000000xf32, #tpu.memory_space<hbm>> -> memref<4000000xf32, #tpu.memory_space<hbm>>
    tpu.enqueue_indirect_dma source(%dma_start3A_539 : memref<4000000xf32, #tpu.memory_space<hbm>>) target(%dma_start3A_534 : memref<128xf32, #tpu.memory_space<vmem>>) offsets(%dma_start3A_537 : memref<128xi32, #tpu.memory_space<vmem>>) semaphore(%arg8 : memref<!tpu.dma_semaphore, #tpu.memory_space<semaphore_mem>>)
    %dma_start3A_540 = arith.constant 6 : i32
    %dma_start3A_541 = arith.constant 6 : i32
    %dma_start3A_542 = arith.constant 0 : i32
    %dma_start3A_543 = tpu.memref_slice %arg7[%dma_start3A_541, %dma_start3A_542] : memref<16x128xf32, #tpu.memory_space<vmem>> -> memref<1x128xf32, #tpu.memory_space<vmem>>
    %dma_start3A_544 = tpu.memref_squeeze %dma_start3A_543 : memref<1x128xf32, #tpu.memory_space<vmem>> -> memref<128xf32, #tpu.memory_space<vmem>>
    %dma_start3A_545 = arith.constant 0 : i32
    %dma_start3A_546 = tpu.memref_slice %arg6[%dma_start3A_540, %dma_start3A_545] : memref<16x128xi32, #tpu.memory_space<vmem>> -> memref<1x128xi32, #tpu.memory_space<vmem>>
    %dma_start3A_547 = tpu.memref_squeeze %dma_start3A_546 : memref<1x128xi32, #tpu.memory_space<vmem>> -> memref<128xi32, #tpu.memory_space<vmem>>
    %dma_start3A_548 = arith.constant 0 : i32
    %dma_start3A_549 = tpu.memref_slice %arg3[%dma_start3A_548] : memref<4000000xf32, #tpu.memory_space<hbm>> -> memref<4000000xf32, #tpu.memory_space<hbm>>
    tpu.enqueue_indirect_dma source(%dma_start3A_549 : memref<4000000xf32, #tpu.memory_space<hbm>>) target(%dma_start3A_544 : memref<128xf32, #tpu.memory_space<vmem>>) offsets(%dma_start3A_547 : memref<128xi32, #tpu.memory_space<vmem>>) semaphore(%arg8 : memref<!tpu.dma_semaphore, #tpu.memory_space<semaphore_mem>>)
    %dma_start3A_550 = arith.constant 7 : i32
    %dma_start3A_551 = arith.constant 7 : i32
    %dma_start3A_552 = arith.constant 0 : i32
    %dma_start3A_553 = tpu.memref_slice %arg7[%dma_start3A_551, %dma_start3A_552] : memref<16x128xf32, #tpu.memory_space<vmem>> -> memref<1x128xf32, #tpu.memory_space<vmem>>
    %dma_start3A_554 = tpu.memref_squeeze %dma_start3A_553 : memref<1x128xf32, #tpu.memory_space<vmem>> -> memref<128xf32, #tpu.memory_space<vmem>>
    %dma_start3A_555 = arith.constant 0 : i32
    %dma_start3A_556 = tpu.memref_slice %arg6[%dma_start3A_550, %dma_start3A_555] : memref<16x128xi32, #tpu.memory_space<vmem>> -> memref<1x128xi32, #tpu.memory_space<vmem>>
    %dma_start3A_557 = tpu.memref_squeeze %dma_start3A_556 : memref<1x128xi32, #tpu.memory_space<vmem>> -> memref<128xi32, #tpu.memory_space<vmem>>
    %dma_start3A_558 = arith.constant 0 : i32
    %dma_start3A_559 = tpu.memref_slice %arg3[%dma_start3A_558] : memref<4000000xf32, #tpu.memory_space<hbm>> -> memref<4000000xf32, #tpu.memory_space<hbm>>
    tpu.enqueue_indirect_dma source(%dma_start3A_559 : memref<4000000xf32, #tpu.memory_space<hbm>>) target(%dma_start3A_554 : memref<128xf32, #tpu.memory_space<vmem>>) offsets(%dma_start3A_557 : memref<128xi32, #tpu.memory_space<vmem>>) semaphore(%arg8 : memref<!tpu.dma_semaphore, #tpu.memory_space<semaphore_mem>>)
    %get3A_560 = arith.constant 256 : index
    %get3A_561 = tpu.vector_load %arg5[%get3A_560] {strides = array<i32>} : memref<512xi32, #tpu.memory_space<vmem>>, vector<16xi32>,
    %add3A_562 = arith.constant 0 : i32
    %add3A_563 = vector.broadcast %add3A_562 : i32 to vector<16xi32>
    %add3A_564 = arith.addi %get3A_561, %add3A_563 : vector<16xi32>
    %swap3A_565 = arith.constant 8 : i32
    %swap3A_566 = arith.index_cast %swap3A_565 : i32 to index
    %swap3A_567 = arith.constant 0 : index
    %swap3A_568 = tpu.vector_load %arg6[%swap3A_566, %swap3A_567] {strides = array<i32>} : memref<16x128xi32, #tpu.memory_space<vmem>>, vector<16xi32>,
    tpu.vector_store %arg6[%swap3A_566, %swap3A_567], %add3A_564 {strides = array<i32>} : memref<16x128xi32, #tpu.memory_space<vmem>>, vector<16xi32>,
    %add3A_569 = arith.constant 1000000 : i32
    %add3A_570 = vector.broadcast %add3A_569 : i32 to vector<16xi32>
    %add3A_571 = arith.addi %get3A_561, %add3A_570 : vector<16xi32>
    %swap3A_572 = arith.constant 9 : i32
    %swap3A_573 = arith.index_cast %swap3A_572 : i32 to index
    %swap3A_574 = arith.constant 0 : index
    %swap3A_575 = tpu.vector_load %arg6[%swap3A_573, %swap3A_574] {strides = array<i32>} : memref<16x128xi32, #tpu.memory_space<vmem>>, vector<16xi32>,
    tpu.vector_store %arg6[%swap3A_573, %swap3A_574], %add3A_571 {strides = array<i32>} : memref<16x128xi32, #tpu.memory_space<vmem>>, vector<16xi32>,
    %add3A_576 = arith.constant 2000000 : i32
    %add3A_577 = vector.broadcast %add3A_576 : i32 to vector<16xi32>
    %add3A_578 = arith.addi %get3A_561, %add3A_577 : vector<16xi32>
    %swap3A_579 = arith.constant 10 : i32
    %swap3A_580 = arith.index_cast %swap3A_579 : i32 to index
    %swap3A_581 = arith.constant 0 : index
    %swap3A_582 = tpu.vector_load %arg6[%swap3A_580, %swap3A_581] {strides = array<i32>} : memref<16x128xi32, #tpu.memory_space<vmem>>, vector<16xi32>,
    tpu.vector_store %arg6[%swap3A_580, %swap3A_581], %add3A_578 {strides = array<i32>} : memref<16x128xi32, #tpu.memory_space<vmem>>, vector<16xi32>,
    %add3A_583 = arith.constant 3000000 : i32
    %add3A_584 = vector.broadcast %add3A_583 : i32 to vector<16xi32>
    %add3A_585 = arith.addi %get3A_561, %add3A_584 : vector<16xi32>
    %swap3A_586 = arith.constant 11 : i32
    %swap3A_587 = arith.index_cast %swap3A_586 : i32 to index
    %swap3A_588 = arith.constant 0 : index
    %swap3A_589 = tpu.vector_load %arg6[%swap3A_587, %swap3A_588] {strides = array<i32>} : memref<16x128xi32, #tpu.memory_space<vmem>>, vector<16xi32>,
    tpu.vector_store %arg6[%swap3A_587, %swap3A_588], %add3A_585 {strides = array<i32>} : memref<16x128xi32, #tpu.memory_space<vmem>>, vector<16xi32>,
    %get3A_590 = arith.constant 272 : index
    %get3A_591 = tpu.vector_load %arg5[%get3A_590] {strides = array<i32>} : memref<512xi32, #tpu.memory_space<vmem>>, vector<16xi32>,
    %add3A_592 = arith.constant 0 : i32
    %add3A_593 = vector.broadcast %add3A_592 : i32 to vector<16xi32>
    %add3A_594 = arith.addi %get3A_591, %add3A_593 : vector<16xi32>
    %swap3A_595 = arith.constant 8 : i32
    %swap3A_596 = arith.index_cast %swap3A_595 : i32 to index
    %swap3A_597 = arith.constant 16 : index
    %swap3A_598 = tpu.vector_load %arg6[%swap3A_596, %swap3A_597] {strides = array<i32>} : memref<16x128xi32, #tpu.memory_space<vmem>>, vector<16xi32>,
    tpu.vector_store %arg6[%swap3A_596, %swap3A_597], %add3A_594 {strides = array<i32>} : memref<16x128xi32, #tpu.memory_space<vmem>>, vector<16xi32>,
    %add3A_599 = arith.constant 1000000 : i32
    %add3A_600 = vector.broadcast %add3A_599 : i32 to vector<16xi32>
    %add3A_601 = arith.addi %get3A_591, %add3A_600 : vector<16xi32>
    %swap3A_602 = arith.constant 9 : i32
    %swap3A_603 = arith.index_cast %swap3A_602 : i32 to index
    %swap3A_604 = arith.constant 16 : index
    %swap3A_605 = tpu.vector_load %arg6[%swap3A_603, %swap3A_604] {strides = array<i32>} : memref<16x128xi32, #tpu.memory_space<vmem>>, vector<16xi32>,
    tpu.vector_store %arg6[%swap3A_603, %swap3A_604], %add3A_601 {strides = array<i32>} : memref<16x128xi32, #tpu.memory_space<vmem>>, vector<16xi32>,
    %add3A_606 = arith.constant 2000000 : i32
    %add3A_607 = vector.broadcast %add3A_606 : i32 to vector<16xi32>
    %add3A_608 = arith.addi %get3A_591, %add3A_607 : vector<16xi32>
    %swap3A_609 = arith.constant 10 : i32
    %swap3A_610 = arith.index_cast %swap3A_609 : i32 to index
    %swap3A_611 = arith.constant 16 : index
    %swap3A_612 = tpu.vector_load %arg6[%swap3A_610, %swap3A_611] {strides = array<i32>} : memref<16x128xi32, #tpu.memory_space<vmem>>, vector<16xi32>,
    tpu.vector_store %arg6[%swap3A_610, %swap3A_611], %add3A_608 {strides = array<i32>} : memref<16x128xi32, #tpu.memory_space<vmem>>, vector<16xi32>,
    %add3A_613 = arith.constant 3000000 : i32
    %add3A_614 = vector.broadcast %add3A_613 : i32 to vector<16xi32>
    %add3A_615 = arith.addi %get3A_591, %add3A_614 : vector<16xi32>
    %swap3A_616 = arith.constant 11 : i32
    %swap3A_617 = arith.index_cast %swap3A_616 : i32 to index
    %swap3A_618 = arith.constant 16 : index
    %swap3A_619 = tpu.vector_load %arg6[%swap3A_617, %swap3A_618] {strides = array<i32>} : memref<16x128xi32, #tpu.memory_space<vmem>>, vector<16xi32>,
    tpu.vector_store %arg6[%swap3A_617, %swap3A_618], %add3A_615 {strides = array<i32>} : memref<16x128xi32, #tpu.memory_space<vmem>>, vector<16xi32>,
    %get3A_620 = arith.constant 288 : index
    %get3A_621 = tpu.vector_load %arg5[%get3A_620] {strides = array<i32>} : memref<512xi32, #tpu.memory_space<vmem>>, vector<16xi32>,
    %add3A_622 = arith.constant 0 : i32
    %add3A_623 = vector.broadcast %add3A_622 : i32 to vector<16xi32>
    %add3A_624 = arith.addi %get3A_621, %add3A_623 : vector<16xi32>
    %swap3A_625 = arith.constant 8 : i32
    %swap3A_626 = arith.index_cast %swap3A_625 : i32 to index
    %swap3A_627 = arith.constant 32 : index
    %swap3A_628 = tpu.vector_load %arg6[%swap3A_626, %swap3A_627] {strides = array<i32>} : memref<16x128xi32, #tpu.memory_space<vmem>>, vector<16xi32>,
    tpu.vector_store %arg6[%swap3A_626, %swap3A_627], %add3A_624 {strides = array<i32>} : memref<16x128xi32, #tpu.memory_space<vmem>>, vector<16xi32>,
    %add3A_629 = arith.constant 1000000 : i32
    %add3A_630 = vector.broadcast %add3A_629 : i32 to vector<16xi32>
    %add3A_631 = arith.addi %get3A_621, %add3A_630 : vector<16xi32>
    %swap3A_632 = arith.constant 9 : i32
    %swap3A_633 = arith.index_cast %swap3A_632 : i32 to index
    %swap3A_634 = arith.constant 32 : index
    %swap3A_635 = tpu.vector_load %arg6[%swap3A_633, %swap3A_634] {strides = array<i32>} : memref<16x128xi32, #tpu.memory_space<vmem>>, vector<16xi32>,
    tpu.vector_store %arg6[%swap3A_633, %swap3A_634], %add3A_631 {strides = array<i32>} : memref<16x128xi32, #tpu.memory_space<vmem>>, vector<16xi32>,
    %add3A_636 = arith.constant 2000000 : i32
    %add3A_637 = vector.broadcast %add3A_636 : i32 to vector<16xi32>
    %add3A_638 = arith.addi %get3A_621, %add3A_637 : vector<16xi32>
    %swap3A_639 = arith.constant 10 : i32
    %swap3A_640 = arith.index_cast %swap3A_639 : i32 to index
    %swap3A_641 = arith.constant 32 : index
    %swap3A_642 = tpu.vector_load %arg6[%swap3A_640, %swap3A_641] {strides = array<i32>} : memref<16x128xi32, #tpu.memory_space<vmem>>, vector<16xi32>,
    tpu.vector_store %arg6[%swap3A_640, %swap3A_641], %add3A_638 {strides = array<i32>} : memref<16x128xi32, #tpu.memory_space<vmem>>, vector<16xi32>,
    %add3A_643 = arith.constant 3000000 : i32
    %add3A_644 = vector.broadcast %add3A_643 : i32 to vector<16xi32>
    %add3A_645 = arith.addi %get3A_621, %add3A_644 : vector<16xi32>
    %swap3A_646 = arith.constant 11 : i32
    %swap3A_647 = arith.index_cast %swap3A_646 : i32 to index
    %swap3A_648 = arith.constant 32 : index
    %swap3A_649 = tpu.vector_load %arg6[%swap3A_647, %swap3A_648] {strides = array<i32>} : memref<16x128xi32, #tpu.memory_space<vmem>>, vector<16xi32>,
    tpu.vector_store %arg6[%swap3A_647, %swap3A_648], %add3A_645 {strides = array<i32>} : memref<16x128xi32, #tpu.memory_space<vmem>>, vector<16xi32>,
    %get3A_650 = arith.constant 304 : index
    %get3A_651 = tpu.vector_load %arg5[%get3A_650] {strides = array<i32>} : memref<512xi32, #tpu.memory_space<vmem>>, vector<16xi32>,
    %add3A_652 = arith.constant 0 : i32
    %add3A_653 = vector.broadcast %add3A_652 : i32 to vector<16xi32>
    %add3A_654 = arith.addi %get3A_651, %add3A_653 : vector<16xi32>
    %swap3A_655 = arith.constant 8 : i32
    %swap3A_656 = arith.index_cast %swap3A_655 : i32 to index
    %swap3A_657 = arith.constant 48 : index
    %swap3A_658 = tpu.vector_load %arg6[%swap3A_656, %swap3A_657] {strides = array<i32>} : memref<16x128xi32, #tpu.memory_space<vmem>>, vector<16xi32>,
    tpu.vector_store %arg6[%swap3A_656, %swap3A_657], %add3A_654 {strides = array<i32>} : memref<16x128xi32, #tpu.memory_space<vmem>>, vector<16xi32>,
    %add3A_659 = arith.constant 1000000 : i32
    %add3A_660 = vector.broadcast %add3A_659 : i32 to vector<16xi32>
    %add3A_661 = arith.addi %get3A_651, %add3A_660 : vector<16xi32>
    %swap3A_662 = arith.constant 9 : i32
    %swap3A_663 = arith.index_cast %swap3A_662 : i32 to index
    %swap3A_664 = arith.constant 48 : index
    %swap3A_665 = tpu.vector_load %arg6[%swap3A_663, %swap3A_664] {strides = array<i32>} : memref<16x128xi32, #tpu.memory_space<vmem>>, vector<16xi32>,
    tpu.vector_store %arg6[%swap3A_663, %swap3A_664], %add3A_661 {strides = array<i32>} : memref<16x128xi32, #tpu.memory_space<vmem>>, vector<16xi32>,
    %add3A_666 = arith.constant 2000000 : i32
    %add3A_667 = vector.broadcast %add3A_666 : i32 to vector<16xi32>
    %add3A_668 = arith.addi %get3A_651, %add3A_667 : vector<16xi32>
    %swap3A_669 = arith.constant 10 : i32
    %swap3A_670 = arith.index_cast %swap3A_669 : i32 to index
    %swap3A_671 = arith.constant 48 : index
    %swap3A_672 = tpu.vector_load %arg6[%swap3A_670, %swap3A_671] {strides = array<i32>} : memref<16x128xi32, #tpu.memory_space<vmem>>, vector<16xi32>,
    tpu.vector_store %arg6[%swap3A_670, %swap3A_671], %add3A_668 {strides = array<i32>} : memref<16x128xi32, #tpu.memory_space<vmem>>, vector<16xi32>,
    %add3A_673 = arith.constant 3000000 : i32
    %add3A_674 = vector.broadcast %add3A_673 : i32 to vector<16xi32>
    %add3A_675 = arith.addi %get3A_651, %add3A_674 : vector<16xi32>
    %swap3A_676 = arith.constant 11 : i32
    %swap3A_677 = arith.index_cast %swap3A_676 : i32 to index
    %swap3A_678 = arith.constant 48 : index
    %swap3A_679 = tpu.vector_load %arg6[%swap3A_677, %swap3A_678] {strides = array<i32>} : memref<16x128xi32, #tpu.memory_space<vmem>>, vector<16xi32>,
    tpu.vector_store %arg6[%swap3A_677, %swap3A_678], %add3A_675 {strides = array<i32>} : memref<16x128xi32, #tpu.memory_space<vmem>>, vector<16xi32>,
    %get3A_680 = arith.constant 320 : index
    %get3A_681 = tpu.vector_load %arg5[%get3A_680] {strides = array<i32>} : memref<512xi32, #tpu.memory_space<vmem>>, vector<16xi32>,
    %add3A_682 = arith.constant 0 : i32
    %add3A_683 = vector.broadcast %add3A_682 : i32 to vector<16xi32>
    %add3A_684 = arith.addi %get3A_681, %add3A_683 : vector<16xi32>
    %swap3A_685 = arith.constant 8 : i32
    %swap3A_686 = arith.index_cast %swap3A_685 : i32 to index
    %swap3A_687 = arith.constant 64 : index
    %swap3A_688 = tpu.vector_load %arg6[%swap3A_686, %swap3A_687] {strides = array<i32>} : memref<16x128xi32, #tpu.memory_space<vmem>>, vector<16xi32>,
    tpu.vector_store %arg6[%swap3A_686, %swap3A_687], %add3A_684 {strides = array<i32>} : memref<16x128xi32, #tpu.memory_space<vmem>>, vector<16xi32>,
    %add3A_689 = arith.constant 1000000 : i32
    %add3A_690 = vector.broadcast %add3A_689 : i32 to vector<16xi32>
    %add3A_691 = arith.addi %get3A_681, %add3A_690 : vector<16xi32>
    %swap3A_692 = arith.constant 9 : i32
    %swap3A_693 = arith.index_cast %swap3A_692 : i32 to index
    %swap3A_694 = arith.constant 64 : index
    %swap3A_695 = tpu.vector_load %arg6[%swap3A_693, %swap3A_694] {strides = array<i32>} : memref<16x128xi32, #tpu.memory_space<vmem>>, vector<16xi32>,
    tpu.vector_store %arg6[%swap3A_693, %swap3A_694], %add3A_691 {strides = array<i32>} : memref<16x128xi32, #tpu.memory_space<vmem>>, vector<16xi32>,
    %add3A_696 = arith.constant 2000000 : i32
    %add3A_697 = vector.broadcast %add3A_696 : i32 to vector<16xi32>
    %add3A_698 = arith.addi %get3A_681, %add3A_697 : vector<16xi32>
    %swap3A_699 = arith.constant 10 : i32
    %swap3A_700 = arith.index_cast %swap3A_699 : i32 to index
    %swap3A_701 = arith.constant 64 : index
    %swap3A_702 = tpu.vector_load %arg6[%swap3A_700, %swap3A_701] {strides = array<i32>} : memref<16x128xi32, #tpu.memory_space<vmem>>, vector<16xi32>,
    tpu.vector_store %arg6[%swap3A_700, %swap3A_701], %add3A_698 {strides = array<i32>} : memref<16x128xi32, #tpu.memory_space<vmem>>, vector<16xi32>,
    %add3A_703 = arith.constant 3000000 : i32
    %add3A_704 = vector.broadcast %add3A_703 : i32 to vector<16xi32>
    %add3A_705 = arith.addi %get3A_681, %add3A_704 : vector<16xi32>
    %swap3A_706 = arith.constant 11 : i32
    %swap3A_707 = arith.index_cast %swap3A_706 : i32 to index
    %swap3A_708 = arith.constant 64 : index
    %swap3A_709 = tpu.vector_load %arg6[%swap3A_707, %swap3A_708] {strides = array<i32>} : memref<16x128xi32, #tpu.memory_space<vmem>>, vector<16xi32>,
    tpu.vector_store %arg6[%swap3A_707, %swap3A_708], %add3A_705 {strides = array<i32>} : memref<16x128xi32, #tpu.memory_space<vmem>>, vector<16xi32>,
    %get3A_710 = arith.constant 336 : index
    %get3A_711 = tpu.vector_load %arg5[%get3A_710] {strides = array<i32>} : memref<512xi32, #tpu.memory_space<vmem>>, vector<16xi32>,
    %add3A_712 = arith.constant 0 : i32
    %add3A_713 = vector.broadcast %add3A_712 : i32 to vector<16xi32>
    %add3A_714 = arith.addi %get3A_711, %add3A_713 : vector<16xi32>
    %swap3A_715 = arith.constant 8 : i32
    %swap3A_716 = arith.index_cast %swap3A_715 : i32 to index
    %swap3A_717 = arith.constant 80 : index
    %swap3A_718 = tpu.vector_load %arg6[%swap3A_716, %swap3A_717] {strides = array<i32>} : memref<16x128xi32, #tpu.memory_space<vmem>>, vector<16xi32>,
    tpu.vector_store %arg6[%swap3A_716, %swap3A_717], %add3A_714 {strides = array<i32>} : memref<16x128xi32, #tpu.memory_space<vmem>>, vector<16xi32>,
    %add3A_719 = arith.constant 1000000 : i32
    %add3A_720 = vector.broadcast %add3A_719 : i32 to vector<16xi32>
    %add3A_721 = arith.addi %get3A_711, %add3A_720 : vector<16xi32>
    %swap3A_722 = arith.constant 9 : i32
    %swap3A_723 = arith.index_cast %swap3A_722 : i32 to index
    %swap3A_724 = arith.constant 80 : index
    %swap3A_725 = tpu.vector_load %arg6[%swap3A_723, %swap3A_724] {strides = array<i32>} : memref<16x128xi32, #tpu.memory_space<vmem>>, vector<16xi32>,
    tpu.vector_store %arg6[%swap3A_723, %swap3A_724], %add3A_721 {strides = array<i32>} : memref<16x128xi32, #tpu.memory_space<vmem>>, vector<16xi32>,
    %add3A_726 = arith.constant 2000000 : i32
    %add3A_727 = vector.broadcast %add3A_726 : i32 to vector<16xi32>
    %add3A_728 = arith.addi %get3A_711, %add3A_727 : vector<16xi32>
    %swap3A_729 = arith.constant 10 : i32
    %swap3A_730 = arith.index_cast %swap3A_729 : i32 to index
    %swap3A_731 = arith.constant 80 : index
    %swap3A_732 = tpu.vector_load %arg6[%swap3A_730, %swap3A_731] {strides = array<i32>} : memref<16x128xi32, #tpu.memory_space<vmem>>, vector<16xi32>,
    tpu.vector_store %arg6[%swap3A_730, %swap3A_731], %add3A_728 {strides = array<i32>} : memref<16x128xi32, #tpu.memory_space<vmem>>, vector<16xi32>,
    %add3A_733 = arith.constant 3000000 : i32
    %add3A_734 = vector.broadcast %add3A_733 : i32 to vector<16xi32>
    %add3A_735 = arith.addi %get3A_711, %add3A_734 : vector<16xi32>
    %swap3A_736 = arith.constant 11 : i32
    %swap3A_737 = arith.index_cast %swap3A_736 : i32 to index
    %swap3A_738 = arith.constant 80 : index
    %swap3A_739 = tpu.vector_load %arg6[%swap3A_737, %swap3A_738] {strides = array<i32>} : memref<16x128xi32, #tpu.memory_space<vmem>>, vector<16xi32>,
    tpu.vector_store %arg6[%swap3A_737, %swap3A_738], %add3A_735 {strides = array<i32>} : memref<16x128xi32, #tpu.memory_space<vmem>>, vector<16xi32>,
    %get3A_740 = arith.constant 352 : index
    %get3A_741 = tpu.vector_load %arg5[%get3A_740] {strides = array<i32>} : memref<512xi32, #tpu.memory_space<vmem>>, vector<16xi32>,
    %add3A_742 = arith.constant 0 : i32
    %add3A_743 = vector.broadcast %add3A_742 : i32 to vector<16xi32>
    %add3A_744 = arith.addi %get3A_741, %add3A_743 : vector<16xi32>
    %swap3A_745 = arith.constant 8 : i32
    %swap3A_746 = arith.index_cast %swap3A_745 : i32 to index
    %swap3A_747 = arith.constant 96 : index
    %swap3A_748 = tpu.vector_load %arg6[%swap3A_746, %swap3A_747] {strides = array<i32>} : memref<16x128xi32, #tpu.memory_space<vmem>>, vector<16xi32>,
    tpu.vector_store %arg6[%swap3A_746, %swap3A_747], %add3A_744 {strides = array<i32>} : memref<16x128xi32, #tpu.memory_space<vmem>>, vector<16xi32>,
    %add3A_749 = arith.constant 1000000 : i32
    %add3A_750 = vector.broadcast %add3A_749 : i32 to vector<16xi32>
    %add3A_751 = arith.addi %get3A_741, %add3A_750 : vector<16xi32>
    %swap3A_752 = arith.constant 9 : i32
    %swap3A_753 = arith.index_cast %swap3A_752 : i32 to index
    %swap3A_754 = arith.constant 96 : index
    %swap3A_755 = tpu.vector_load %arg6[%swap3A_753, %swap3A_754] {strides = array<i32>} : memref<16x128xi32, #tpu.memory_space<vmem>>, vector<16xi32>,
    tpu.vector_store %arg6[%swap3A_753, %swap3A_754], %add3A_751 {strides = array<i32>} : memref<16x128xi32, #tpu.memory_space<vmem>>, vector<16xi32>,
    %add3A_756 = arith.constant 2000000 : i32
    %add3A_757 = vector.broadcast %add3A_756 : i32 to vector<16xi32>
    %add3A_758 = arith.addi %get3A_741, %add3A_757 : vector<16xi32>
    %swap3A_759 = arith.constant 10 : i32
    %swap3A_760 = arith.index_cast %swap3A_759 : i32 to index
    %swap3A_761 = arith.constant 96 : index
    %swap3A_762 = tpu.vector_load %arg6[%swap3A_760, %swap3A_761] {strides = array<i32>} : memref<16x128xi32, #tpu.memory_space<vmem>>, vector<16xi32>,
    tpu.vector_store %arg6[%swap3A_760, %swap3A_761], %add3A_758 {strides = array<i32>} : memref<16x128xi32, #tpu.memory_space<vmem>>, vector<16xi32>,
    %add3A_763 = arith.constant 3000000 : i32
    %add3A_764 = vector.broadcast %add3A_763 : i32 to vector<16xi32>
    %add3A_765 = arith.addi %get3A_741, %add3A_764 : vector<16xi32>
    %swap3A_766 = arith.constant 11 : i32
    %swap3A_767 = arith.index_cast %swap3A_766 : i32 to index
    %swap3A_768 = arith.constant 96 : index
    %swap3A_769 = tpu.vector_load %arg6[%swap3A_767, %swap3A_768] {strides = array<i32>} : memref<16x128xi32, #tpu.memory_space<vmem>>, vector<16xi32>,
    tpu.vector_store %arg6[%swap3A_767, %swap3A_768], %add3A_765 {strides = array<i32>} : memref<16x128xi32, #tpu.memory_space<vmem>>, vector<16xi32>,
    %get3A_770 = arith.constant 368 : index
    %get3A_771 = tpu.vector_load %arg5[%get3A_770] {strides = array<i32>} : memref<512xi32, #tpu.memory_space<vmem>>, vector<16xi32>,
    %add3A_772 = arith.constant 0 : i32
    %add3A_773 = vector.broadcast %add3A_772 : i32 to vector<16xi32>
    %add3A_774 = arith.addi %get3A_771, %add3A_773 : vector<16xi32>
    %swap3A_775 = arith.constant 8 : i32
    %swap3A_776 = arith.index_cast %swap3A_775 : i32 to index
    %swap3A_777 = arith.constant 112 : index
    %swap3A_778 = tpu.vector_load %arg6[%swap3A_776, %swap3A_777] {strides = array<i32>} : memref<16x128xi32, #tpu.memory_space<vmem>>, vector<16xi32>,
    tpu.vector_store %arg6[%swap3A_776, %swap3A_777], %add3A_774 {strides = array<i32>} : memref<16x128xi32, #tpu.memory_space<vmem>>, vector<16xi32>,
    %add3A_779 = arith.constant 1000000 : i32
    %add3A_780 = vector.broadcast %add3A_779 : i32 to vector<16xi32>
    %add3A_781 = arith.addi %get3A_771, %add3A_780 : vector<16xi32>
    %swap3A_782 = arith.constant 9 : i32
    %swap3A_783 = arith.index_cast %swap3A_782 : i32 to index
    %swap3A_784 = arith.constant 112 : index
    %swap3A_785 = tpu.vector_load %arg6[%swap3A_783, %swap3A_784] {strides = array<i32>} : memref<16x128xi32, #tpu.memory_space<vmem>>, vector<16xi32>,
    tpu.vector_store %arg6[%swap3A_783, %swap3A_784], %add3A_781 {strides = array<i32>} : memref<16x128xi32, #tpu.memory_space<vmem>>, vector<16xi32>,
    %add3A_786 = arith.constant 2000000 : i32
    %add3A_787 = vector.broadcast %add3A_786 : i32 to vector<16xi32>
    %add3A_788 = arith.addi %get3A_771, %add3A_787 : vector<16xi32>
    %swap3A_789 = arith.constant 10 : i32
    %swap3A_790 = arith.index_cast %swap3A_789 : i32 to index
    %swap3A_791 = arith.constant 112 : index
    %swap3A_792 = tpu.vector_load %arg6[%swap3A_790, %swap3A_791] {strides = array<i32>} : memref<16x128xi32, #tpu.memory_space<vmem>>, vector<16xi32>,
    tpu.vector_store %arg6[%swap3A_790, %swap3A_791], %add3A_788 {strides = array<i32>} : memref<16x128xi32, #tpu.memory_space<vmem>>, vector<16xi32>,
    %add3A_793 = arith.constant 3000000 : i32
    %add3A_794 = vector.broadcast %add3A_793 : i32 to vector<16xi32>
    %add3A_795 = arith.addi %get3A_771, %add3A_794 : vector<16xi32>
    %swap3A_796 = arith.constant 11 : i32
    %swap3A_797 = arith.index_cast %swap3A_796 : i32 to index
    %swap3A_798 = arith.constant 112 : index
    %swap3A_799 = tpu.vector_load %arg6[%swap3A_797, %swap3A_798] {strides = array<i32>} : memref<16x128xi32, #tpu.memory_space<vmem>>, vector<16xi32>,
    tpu.vector_store %arg6[%swap3A_797, %swap3A_798], %add3A_795 {strides = array<i32>} : memref<16x128xi32, #tpu.memory_space<vmem>>, vector<16xi32>,
    %dma_start3A_800 = arith.constant 8 : i32
    %dma_start3A_801 = arith.constant 8 : i32
    %dma_start3A_802 = arith.constant 0 : i32
    %dma_start3A_803 = tpu.memref_slice %arg7[%dma_start3A_801, %dma_start3A_802] : memref<16x128xf32, #tpu.memory_space<vmem>> -> memref<1x128xf32, #tpu.memory_space<vmem>>
    %dma_start3A_804 = tpu.memref_squeeze %dma_start3A_803 : memref<1x128xf32, #tpu.memory_space<vmem>> -> memref<128xf32, #tpu.memory_space<vmem>>
    %dma_start3A_805 = arith.constant 0 : i32
    %dma_start3A_806 = tpu.memref_slice %arg6[%dma_start3A_800, %dma_start3A_805] : memref<16x128xi32, #tpu.memory_space<vmem>> -> memref<1x128xi32, #tpu.memory_space<vmem>>
    %dma_start3A_807 = tpu.memref_squeeze %dma_start3A_806 : memref<1x128xi32, #tpu.memory_space<vmem>> -> memref<128xi32, #tpu.memory_space<vmem>>
    %dma_start3A_808 = arith.constant 0 : i32
    %dma_start3A_809 = tpu.memref_slice %arg3[%dma_start3A_808] : memref<4000000xf32, #tpu.memory_space<hbm>> -> memref<4000000xf32, #tpu.memory_space<hbm>>
    tpu.enqueue_indirect_dma source(%dma_start3A_809 : memref<4000000xf32, #tpu.memory_space<hbm>>) target(%dma_start3A_804 : memref<128xf32, #tpu.memory_space<vmem>>) offsets(%dma_start3A_807 : memref<128xi32, #tpu.memory_space<vmem>>) semaphore(%arg8 : memref<!tpu.dma_semaphore, #tpu.memory_space<semaphore_mem>>)
    %dma_start3A_810 = arith.constant 9 : i32
    %dma_start3A_811 = arith.constant 9 : i32
    %dma_start3A_812 = arith.constant 0 : i32
    %dma_start3A_813 = tpu.memref_slice %arg7[%dma_start3A_811, %dma_start3A_812] : memref<16x128xf32, #tpu.memory_space<vmem>> -> memref<1x128xf32, #tpu.memory_space<vmem>>
    %dma_start3A_814 = tpu.memref_squeeze %dma_start3A_813 : memref<1x128xf32, #tpu.memory_space<vmem>> -> memref<128xf32, #tpu.memory_space<vmem>>
    %dma_start3A_815 = arith.constant 0 : i32
    %dma_start3A_816 = tpu.memref_slice %arg6[%dma_start3A_810, %dma_start3A_815] : memref<16x128xi32, #tpu.memory_space<vmem>> -> memref<1x128xi32, #tpu.memory_space<vmem>>
    %dma_start3A_817 = tpu.memref_squeeze %dma_start3A_816 : memref<1x128xi32, #tpu.memory_space<vmem>> -> memref<128xi32, #tpu.memory_space<vmem>>
    %dma_start3A_818 = arith.constant 0 : i32
    %dma_start3A_819 = tpu.memref_slice %arg3[%dma_start3A_818] : memref<4000000xf32, #tpu.memory_space<hbm>> -> memref<4000000xf32, #tpu.memory_space<hbm>>
    tpu.enqueue_indirect_dma source(%dma_start3A_819 : memref<4000000xf32, #tpu.memory_space<hbm>>) target(%dma_start3A_814 : memref<128xf32, #tpu.memory_space<vmem>>) offsets(%dma_start3A_817 : memref<128xi32, #tpu.memory_space<vmem>>) semaphore(%arg8 : memref<!tpu.dma_semaphore, #tpu.memory_space<semaphore_mem>>)
    %dma_start3A_820 = arith.constant 10 : i32
    %dma_start3A_821 = arith.constant 10 : i32
    %dma_start3A_822 = arith.constant 0 : i32
    %dma_start3A_823 = tpu.memref_slice %arg7[%dma_start3A_821, %dma_start3A_822] : memref<16x128xf32, #tpu.memory_space<vmem>> -> memref<1x128xf32, #tpu.memory_space<vmem>>
    %dma_start3A_824 = tpu.memref_squeeze %dma_start3A_823 : memref<1x128xf32, #tpu.memory_space<vmem>> -> memref<128xf32, #tpu.memory_space<vmem>>
    %dma_start3A_825 = arith.constant 0 : i32
    %dma_start3A_826 = tpu.memref_slice %arg6[%dma_start3A_820, %dma_start3A_825] : memref<16x128xi32, #tpu.memory_space<vmem>> -> memref<1x128xi32, #tpu.memory_space<vmem>>
    %dma_start3A_827 = tpu.memref_squeeze %dma_start3A_826 : memref<1x128xi32, #tpu.memory_space<vmem>> -> memref<128xi32, #tpu.memory_space<vmem>>
    %dma_start3A_828 = arith.constant 0 : i32
    %dma_start3A_829 = tpu.memref_slice %arg3[%dma_start3A_828] : memref<4000000xf32, #tpu.memory_space<hbm>> -> memref<4000000xf32, #tpu.memory_space<hbm>>
    tpu.enqueue_indirect_dma source(%dma_start3A_829 : memref<4000000xf32, #tpu.memory_space<hbm>>) target(%dma_start3A_824 : memref<128xf32, #tpu.memory_space<vmem>>) offsets(%dma_start3A_827 : memref<128xi32, #tpu.memory_space<vmem>>) semaphore(%arg8 : memref<!tpu.dma_semaphore, #tpu.memory_space<semaphore_mem>>)
    %dma_start3A_830 = arith.constant 11 : i32
    %dma_start3A_831 = arith.constant 11 : i32
    %dma_start3A_832 = arith.constant 0 : i32
    %dma_start3A_833 = tpu.memref_slice %arg7[%dma_start3A_831, %dma_start3A_832] : memref<16x128xf32, #tpu.memory_space<vmem>> -> memref<1x128xf32, #tpu.memory_space<vmem>>
    %dma_start3A_834 = tpu.memref_squeeze %dma_start3A_833 : memref<1x128xf32, #tpu.memory_space<vmem>> -> memref<128xf32, #tpu.memory_space<vmem>>
    %dma_start3A_835 = arith.constant 0 : i32
    %dma_start3A_836 = tpu.memref_slice %arg6[%dma_start3A_830, %dma_start3A_835] : memref<16x128xi32, #tpu.memory_space<vmem>> -> memref<1x128xi32, #tpu.memory_space<vmem>>
    %dma_start3A_837 = tpu.memref_squeeze %dma_start3A_836 : memref<1x128xi32, #tpu.memory_space<vmem>> -> memref<128xi32, #tpu.memory_space<vmem>>
    %dma_start3A_838 = arith.constant 0 : i32
    %dma_start3A_839 = tpu.memref_slice %arg3[%dma_start3A_838] : memref<4000000xf32, #tpu.memory_space<hbm>> -> memref<4000000xf32, #tpu.memory_space<hbm>>
    tpu.enqueue_indirect_dma source(%dma_start3A_839 : memref<4000000xf32, #tpu.memory_space<hbm>>) target(%dma_start3A_834 : memref<128xf32, #tpu.memory_space<vmem>>) offsets(%dma_start3A_837 : memref<128xi32, #tpu.memory_space<vmem>>) semaphore(%arg8 : memref<!tpu.dma_semaphore, #tpu.memory_space<semaphore_mem>>)
    %get3A_840 = arith.constant 384 : index
    %get3A_841 = tpu.vector_load %arg5[%get3A_840] {strides = array<i32>} : memref<512xi32, #tpu.memory_space<vmem>>, vector<16xi32>,
    %add3A_842 = arith.constant 0 : i32
    %add3A_843 = vector.broadcast %add3A_842 : i32 to vector<16xi32>
    %add3A_844 = arith.addi %get3A_841, %add3A_843 : vector<16xi32>
    %swap3A_845 = arith.constant 12 : i32
    %swap3A_846 = arith.index_cast %swap3A_845 : i32 to index
    %swap3A_847 = arith.constant 0 : index
    %swap3A_848 = tpu.vector_load %arg6[%swap3A_846, %swap3A_847] {strides = array<i32>} : memref<16x128xi32, #tpu.memory_space<vmem>>, vector<16xi32>,
    tpu.vector_store %arg6[%swap3A_846, %swap3A_847], %add3A_844 {strides = array<i32>} : memref<16x128xi32, #tpu.memory_space<vmem>>, vector<16xi32>,
    %add3A_849 = arith.constant 1000000 : i32
    %add3A_850 = vector.broadcast %add3A_849 : i32 to vector<16xi32>
    %add3A_851 = arith.addi %get3A_841, %add3A_850 : vector<16xi32>
    %swap3A_852 = arith.constant 13 : i32
    %swap3A_853 = arith.index_cast %swap3A_852 : i32 to index
    %swap3A_854 = arith.constant 0 : index
    %swap3A_855 = tpu.vector_load %arg6[%swap3A_853, %swap3A_854] {strides = array<i32>} : memref<16x128xi32, #tpu.memory_space<vmem>>, vector<16xi32>,
    tpu.vector_store %arg6[%swap3A_853, %swap3A_854], %add3A_851 {strides = array<i32>} : memref<16x128xi32, #tpu.memory_space<vmem>>, vector<16xi32>,
    %add3A_856 = arith.constant 2000000 : i32
    %add3A_857 = vector.broadcast %add3A_856 : i32 to vector<16xi32>
    %add3A_858 = arith.addi %get3A_841, %add3A_857 : vector<16xi32>
    %swap3A_859 = arith.constant 14 : i32
    %swap3A_860 = arith.index_cast %swap3A_859 : i32 to index
    %swap3A_861 = arith.constant 0 : index
    %swap3A_862 = tpu.vector_load %arg6[%swap3A_860, %swap3A_861] {strides = array<i32>} : memref<16x128xi32, #tpu.memory_space<vmem>>, vector<16xi32>,
    tpu.vector_store %arg6[%swap3A_860, %swap3A_861], %add3A_858 {strides = array<i32>} : memref<16x128xi32, #tpu.memory_space<vmem>>, vector<16xi32>,
    %add3A_863 = arith.constant 3000000 : i32
    %add3A_864 = vector.broadcast %add3A_863 : i32 to vector<16xi32>
    %add3A_865 = arith.addi %get3A_841, %add3A_864 : vector<16xi32>
    %swap3A_866 = arith.constant 15 : i32
    %swap3A_867 = arith.index_cast %swap3A_866 : i32 to index
    %swap3A_868 = arith.constant 0 : index
    %swap3A_869 = tpu.vector_load %arg6[%swap3A_867, %swap3A_868] {strides = array<i32>} : memref<16x128xi32, #tpu.memory_space<vmem>>, vector<16xi32>,
    tpu.vector_store %arg6[%swap3A_867, %swap3A_868], %add3A_865 {strides = array<i32>} : memref<16x128xi32, #tpu.memory_space<vmem>>, vector<16xi32>,
    %get3A_870 = arith.constant 400 : index
    %get3A_871 = tpu.vector_load %arg5[%get3A_870] {strides = array<i32>} : memref<512xi32, #tpu.memory_space<vmem>>, vector<16xi32>,
    %add3A_872 = arith.constant 0 : i32
    %add3A_873 = vector.broadcast %add3A_872 : i32 to vector<16xi32>
    %add3A_874 = arith.addi %get3A_871, %add3A_873 : vector<16xi32>
    %swap3A_875 = arith.constant 12 : i32
    %swap3A_876 = arith.index_cast %swap3A_875 : i32 to index
    %swap3A_877 = arith.constant 16 : index
    %swap3A_878 = tpu.vector_load %arg6[%swap3A_876, %swap3A_877] {strides = array<i32>} : memref<16x128xi32, #tpu.memory_space<vmem>>, vector<16xi32>,
    tpu.vector_store %arg6[%swap3A_876, %swap3A_877], %add3A_874 {strides = array<i32>} : memref<16x128xi32, #tpu.memory_space<vmem>>, vector<16xi32>,
    %add3A_879 = arith.constant 1000000 : i32
    %add3A_880 = vector.broadcast %add3A_879 : i32 to vector<16xi32>
    %add3A_881 = arith.addi %get3A_871, %add3A_880 : vector<16xi32>
    %swap3A_882 = arith.constant 13 : i32
    %swap3A_883 = arith.index_cast %swap3A_882 : i32 to index
    %swap3A_884 = arith.constant 16 : index
    %swap3A_885 = tpu.vector_load %arg6[%swap3A_883, %swap3A_884] {strides = array<i32>} : memref<16x128xi32, #tpu.memory_space<vmem>>, vector<16xi32>,
    tpu.vector_store %arg6[%swap3A_883, %swap3A_884], %add3A_881 {strides = array<i32>} : memref<16x128xi32, #tpu.memory_space<vmem>>, vector<16xi32>,
    %add3A_886 = arith.constant 2000000 : i32
    %add3A_887 = vector.broadcast %add3A_886 : i32 to vector<16xi32>
    %add3A_888 = arith.addi %get3A_871, %add3A_887 : vector<16xi32>
    %swap3A_889 = arith.constant 14 : i32
    %swap3A_890 = arith.index_cast %swap3A_889 : i32 to index
    %swap3A_891 = arith.constant 16 : index
    %swap3A_892 = tpu.vector_load %arg6[%swap3A_890, %swap3A_891] {strides = array<i32>} : memref<16x128xi32, #tpu.memory_space<vmem>>, vector<16xi32>,
    tpu.vector_store %arg6[%swap3A_890, %swap3A_891], %add3A_888 {strides = array<i32>} : memref<16x128xi32, #tpu.memory_space<vmem>>, vector<16xi32>,
    %add3A_893 = arith.constant 3000000 : i32
    %add3A_894 = vector.broadcast %add3A_893 : i32 to vector<16xi32>
    %add3A_895 = arith.addi %get3A_871, %add3A_894 : vector<16xi32>
    %swap3A_896 = arith.constant 15 : i32
    %swap3A_897 = arith.index_cast %swap3A_896 : i32 to index
    %swap3A_898 = arith.constant 16 : index
    %swap3A_899 = tpu.vector_load %arg6[%swap3A_897, %swap3A_898] {strides = array<i32>} : memref<16x128xi32, #tpu.memory_space<vmem>>, vector<16xi32>,
    tpu.vector_store %arg6[%swap3A_897, %swap3A_898], %add3A_895 {strides = array<i32>} : memref<16x128xi32, #tpu.memory_space<vmem>>, vector<16xi32>,
    %get3A_900 = arith.constant 416 : index
    %get3A_901 = tpu.vector_load %arg5[%get3A_900] {strides = array<i32>} : memref<512xi32, #tpu.memory_space<vmem>>, vector<16xi32>,
    %add3A_902 = arith.constant 0 : i32
    %add3A_903 = vector.broadcast %add3A_902 : i32 to vector<16xi32>
    %add3A_904 = arith.addi %get3A_901, %add3A_903 : vector<16xi32>
    %swap3A_905 = arith.constant 12 : i32
    %swap3A_906 = arith.index_cast %swap3A_905 : i32 to index
    %swap3A_907 = arith.constant 32 : index
    %swap3A_908 = tpu.vector_load %arg6[%swap3A_906, %swap3A_907] {strides = array<i32>} : memref<16x128xi32, #tpu.memory_space<vmem>>, vector<16xi32>,
    tpu.vector_store %arg6[%swap3A_906, %swap3A_907], %add3A_904 {strides = array<i32>} : memref<16x128xi32, #tpu.memory_space<vmem>>, vector<16xi32>,
    %add3A_909 = arith.constant 1000000 : i32
    %add3A_910 = vector.broadcast %add3A_909 : i32 to vector<16xi32>
    %add3A_911 = arith.addi %get3A_901, %add3A_910 : vector<16xi32>
    %swap3A_912 = arith.constant 13 : i32
    %swap3A_913 = arith.index_cast %swap3A_912 : i32 to index
    %swap3A_914 = arith.constant 32 : index
    %swap3A_915 = tpu.vector_load %arg6[%swap3A_913, %swap3A_914] {strides = array<i32>} : memref<16x128xi32, #tpu.memory_space<vmem>>, vector<16xi32>,
    tpu.vector_store %arg6[%swap3A_913, %swap3A_914], %add3A_911 {strides = array<i32>} : memref<16x128xi32, #tpu.memory_space<vmem>>, vector<16xi32>,
    %add3A_916 = arith.constant 2000000 : i32
    %add3A_917 = vector.broadcast %add3A_916 : i32 to vector<16xi32>
    %add3A_918 = arith.addi %get3A_901, %add3A_917 : vector<16xi32>
    %swap3A_919 = arith.constant 14 : i32
    %swap3A_920 = arith.index_cast %swap3A_919 : i32 to index
    %swap3A_921 = arith.constant 32 : index
    %swap3A_922 = tpu.vector_load %arg6[%swap3A_920, %swap3A_921] {strides = array<i32>} : memref<16x128xi32, #tpu.memory_space<vmem>>, vector<16xi32>,
    tpu.vector_store %arg6[%swap3A_920, %swap3A_921], %add3A_918 {strides = array<i32>} : memref<16x128xi32, #tpu.memory_space<vmem>>, vector<16xi32>,
    %add3A_923 = arith.constant 3000000 : i32
    %add3A_924 = vector.broadcast %add3A_923 : i32 to vector<16xi32>
    %add3A_925 = arith.addi %get3A_901, %add3A_924 : vector<16xi32>
    %swap3A_926 = arith.constant 15 : i32
    %swap3A_927 = arith.index_cast %swap3A_926 : i32 to index
    %swap3A_928 = arith.constant 32 : index
    %swap3A_929 = tpu.vector_load %arg6[%swap3A_927, %swap3A_928] {strides = array<i32>} : memref<16x128xi32, #tpu.memory_space<vmem>>, vector<16xi32>,
    tpu.vector_store %arg6[%swap3A_927, %swap3A_928], %add3A_925 {strides = array<i32>} : memref<16x128xi32, #tpu.memory_space<vmem>>, vector<16xi32>,
    %get3A_930 = arith.constant 432 : index
    %get3A_931 = tpu.vector_load %arg5[%get3A_930] {strides = array<i32>} : memref<512xi32, #tpu.memory_space<vmem>>, vector<16xi32>,
    %add3A_932 = arith.constant 0 : i32
    %add3A_933 = vector.broadcast %add3A_932 : i32 to vector<16xi32>
    %add3A_934 = arith.addi %get3A_931, %add3A_933 : vector<16xi32>
    %swap3A_935 = arith.constant 12 : i32
    %swap3A_936 = arith.index_cast %swap3A_935 : i32 to index
    %swap3A_937 = arith.constant 48 : index
    %swap3A_938 = tpu.vector_load %arg6[%swap3A_936, %swap3A_937] {strides = array<i32>} : memref<16x128xi32, #tpu.memory_space<vmem>>, vector<16xi32>,
    tpu.vector_store %arg6[%swap3A_936, %swap3A_937], %add3A_934 {strides = array<i32>} : memref<16x128xi32, #tpu.memory_space<vmem>>, vector<16xi32>,
    %add3A_939 = arith.constant 1000000 : i32
    %add3A_940 = vector.broadcast %add3A_939 : i32 to vector<16xi32>
    %add3A_941 = arith.addi %get3A_931, %add3A_940 : vector<16xi32>
    %swap3A_942 = arith.constant 13 : i32
    %swap3A_943 = arith.index_cast %swap3A_942 : i32 to index
    %swap3A_944 = arith.constant 48 : index
    %swap3A_945 = tpu.vector_load %arg6[%swap3A_943, %swap3A_944] {strides = array<i32>} : memref<16x128xi32, #tpu.memory_space<vmem>>, vector<16xi32>,
    tpu.vector_store %arg6[%swap3A_943, %swap3A_944], %add3A_941 {strides = array<i32>} : memref<16x128xi32, #tpu.memory_space<vmem>>, vector<16xi32>,
    %add3A_946 = arith.constant 2000000 : i32
    %add3A_947 = vector.broadcast %add3A_946 : i32 to vector<16xi32>
    %add3A_948 = arith.addi %get3A_931, %add3A_947 : vector<16xi32>
    %swap3A_949 = arith.constant 14 : i32
    %swap3A_950 = arith.index_cast %swap3A_949 : i32 to index
    %swap3A_951 = arith.constant 48 : index
    %swap3A_952 = tpu.vector_load %arg6[%swap3A_950, %swap3A_951] {strides = array<i32>} : memref<16x128xi32, #tpu.memory_space<vmem>>, vector<16xi32>,
    tpu.vector_store %arg6[%swap3A_950, %swap3A_951], %add3A_948 {strides = array<i32>} : memref<16x128xi32, #tpu.memory_space<vmem>>, vector<16xi32>,
    %add3A_953 = arith.constant 3000000 : i32
    %add3A_954 = vector.broadcast %add3A_953 : i32 to vector<16xi32>
    %add3A_955 = arith.addi %get3A_931, %add3A_954 : vector<16xi32>
    %swap3A_956 = arith.constant 15 : i32
    %swap3A_957 = arith.index_cast %swap3A_956 : i32 to index
    %swap3A_958 = arith.constant 48 : index
    %swap3A_959 = tpu.vector_load %arg6[%swap3A_957, %swap3A_958] {strides = array<i32>} : memref<16x128xi32, #tpu.memory_space<vmem>>, vector<16xi32>,
    tpu.vector_store %arg6[%swap3A_957, %swap3A_958], %add3A_955 {strides = array<i32>} : memref<16x128xi32, #tpu.memory_space<vmem>>, vector<16xi32>,
    %get3A_960 = arith.constant 448 : index
    %get3A_961 = tpu.vector_load %arg5[%get3A_960] {strides = array<i32>} : memref<512xi32, #tpu.memory_space<vmem>>, vector<16xi32>,
    %add3A_962 = arith.constant 0 : i32
    %add3A_963 = vector.broadcast %add3A_962 : i32 to vector<16xi32>
    %add3A_964 = arith.addi %get3A_961, %add3A_963 : vector<16xi32>
    %swap3A_965 = arith.constant 12 : i32
    %swap3A_966 = arith.index_cast %swap3A_965 : i32 to index
    %swap3A_967 = arith.constant 64 : index
    %swap3A_968 = tpu.vector_load %arg6[%swap3A_966, %swap3A_967] {strides = array<i32>} : memref<16x128xi32, #tpu.memory_space<vmem>>, vector<16xi32>,
    tpu.vector_store %arg6[%swap3A_966, %swap3A_967], %add3A_964 {strides = array<i32>} : memref<16x128xi32, #tpu.memory_space<vmem>>, vector<16xi32>,
    %add3A_969 = arith.constant 1000000 : i32
    %add3A_970 = vector.broadcast %add3A_969 : i32 to vector<16xi32>
    %add3A_971 = arith.addi %get3A_961, %add3A_970 : vector<16xi32>
    %swap3A_972 = arith.constant 13 : i32
    %swap3A_973 = arith.index_cast %swap3A_972 : i32 to index
    %swap3A_974 = arith.constant 64 : index
    %swap3A_975 = tpu.vector_load %arg6[%swap3A_973, %swap3A_974] {strides = array<i32>} : memref<16x128xi32, #tpu.memory_space<vmem>>, vector<16xi32>,
    tpu.vector_store %arg6[%swap3A_973, %swap3A_974], %add3A_971 {strides = array<i32>} : memref<16x128xi32, #tpu.memory_space<vmem>>, vector<16xi32>,
    %add3A_976 = arith.constant 2000000 : i32
    %add3A_977 = vector.broadcast %add3A_976 : i32 to vector<16xi32>
    %add3A_978 = arith.addi %get3A_961, %add3A_977 : vector<16xi32>
    %swap3A_979 = arith.constant 14 : i32
    %swap3A_980 = arith.index_cast %swap3A_979 : i32 to index
    %swap3A_981 = arith.constant 64 : index
    %swap3A_982 = tpu.vector_load %arg6[%swap3A_980, %swap3A_981] {strides = array<i32>} : memref<16x128xi32, #tpu.memory_space<vmem>>, vector<16xi32>,
    tpu.vector_store %arg6[%swap3A_980, %swap3A_981], %add3A_978 {strides = array<i32>} : memref<16x128xi32, #tpu.memory_space<vmem>>, vector<16xi32>,
    %add3A_983 = arith.constant 3000000 : i32
    %add3A_984 = vector.broadcast %add3A_983 : i32 to vector<16xi32>
    %add3A_985 = arith.addi %get3A_961, %add3A_984 : vector<16xi32>
    %swap3A_986 = arith.constant 15 : i32
    %swap3A_987 = arith.index_cast %swap3A_986 : i32 to index
    %swap3A_988 = arith.constant 64 : index
    %swap3A_989 = tpu.vector_load %arg6[%swap3A_987, %swap3A_988] {strides = array<i32>} : memref<16x128xi32, #tpu.memory_space<vmem>>, vector<16xi32>,
    tpu.vector_store %arg6[%swap3A_987, %swap3A_988], %add3A_985 {strides = array<i32>} : memref<16x128xi32, #tpu.memory_space<vmem>>, vector<16xi32>,
    %get3A_990 = arith.constant 464 : index
    %get3A_991 = tpu.vector_load %arg5[%get3A_990] {strides = array<i32>} : memref<512xi32, #tpu.memory_space<vmem>>, vector<16xi32>,
    %add3A_992 = arith.constant 0 : i32
    %add3A_993 = vector.broadcast %add3A_992 : i32 to vector<16xi32>
    %add3A_994 = arith.addi %get3A_991, %add3A_993 : vector<16xi32>
    %swap3A_995 = arith.constant 12 : i32
    %swap3A_996 = arith.index_cast %swap3A_995 : i32 to index
    %swap3A_997 = arith.constant 80 : index
    %swap3A_998 = tpu.vector_load %arg6[%swap3A_996, %swap3A_997] {strides = array<i32>} : memref<16x128xi32, #tpu.memory_space<vmem>>, vector<16xi32>,
    tpu.vector_store %arg6[%swap3A_996, %swap3A_997], %add3A_994 {strides = array<i32>} : memref<16x128xi32, #tpu.memory_space<vmem>>, vector<16xi32>,
    %add3A_999 = arith.constant 1000000 : i32
    %add3A_1000 = vector.broadcast %add3A_999 : i32 to vector<16xi32>
    %add3A_1001 = arith.addi %get3A_991, %add3A_1000 : vector<16xi32>
    %swap3A_1002 = arith.constant 13 : i32
    %swap3A_1003 = arith.index_cast %swap3A_1002 : i32 to index
    %swap3A_1004 = arith.constant 80 : index
    %swap3A_1005 = tpu.vector_load %arg6[%swap3A_1003, %swap3A_1004] {strides = array<i32>} : memref<16x128xi32, #tpu.memory_space<vmem>>, vector<16xi32>,
    tpu.vector_store %arg6[%swap3A_1003, %swap3A_1004], %add3A_1001 {strides = array<i32>} : memref<16x128xi32, #tpu.memory_space<vmem>>, vector<16xi32>,
    %add3A_1006 = arith.constant 2000000 : i32
    %add3A_1007 = vector.broadcast %add3A_1006 : i32 to vector<16xi32>
    %add3A_1008 = arith.addi %get3A_991, %add3A_1007 : vector<16xi32>
    %swap3A_1009 = arith.constant 14 : i32
    %swap3A_1010 = arith.index_cast %swap3A_1009 : i32 to index
    %swap3A_1011 = arith.constant 80 : index
    %swap3A_1012 = tpu.vector_load %arg6[%swap3A_1010, %swap3A_1011] {strides = array<i32>} : memref<16x128xi32, #tpu.memory_space<vmem>>, vector<16xi32>,
    tpu.vector_store %arg6[%swap3A_1010, %swap3A_1011], %add3A_1008 {strides = array<i32>} : memref<16x128xi32, #tpu.memory_space<vmem>>, vector<16xi32>,
    %add3A_1013 = arith.constant 3000000 : i32
    %add3A_1014 = vector.broadcast %add3A_1013 : i32 to vector<16xi32>
    %add3A_1015 = arith.addi %get3A_991, %add3A_1014 : vector<16xi32>
    %swap3A_1016 = arith.constant 15 : i32
    %swap3A_1017 = arith.index_cast %swap3A_1016 : i32 to index
    %swap3A_1018 = arith.constant 80 : index
    %swap3A_1019 = tpu.vector_load %arg6[%swap3A_1017, %swap3A_1018] {strides = array<i32>} : memref<16x128xi32, #tpu.memory_space<vmem>>, vector<16xi32>,
    tpu.vector_store %arg6[%swap3A_1017, %swap3A_1018], %add3A_1015 {strides = array<i32>} : memref<16x128xi32, #tpu.memory_space<vmem>>, vector<16xi32>,
    %get3A_1020 = arith.constant 480 : index
    %get3A_1021 = tpu.vector_load %arg5[%get3A_1020] {strides = array<i32>} : memref<512xi32, #tpu.memory_space<vmem>>, vector<16xi32>,
    %add3A_1022 = arith.constant 0 : i32
    %add3A_1023 = vector.broadcast %add3A_1022 : i32 to vector<16xi32>
    %add3A_1024 = arith.addi %get3A_1021, %add3A_1023 : vector<16xi32>
    %swap3A_1025 = arith.constant 12 : i32
    %swap3A_1026 = arith.index_cast %swap3A_1025 : i32 to index
    %swap3A_1027 = arith.constant 96 : index
    %swap3A_1028 = tpu.vector_load %arg6[%swap3A_1026, %swap3A_1027] {strides = array<i32>} : memref<16x128xi32, #tpu.memory_space<vmem>>, vector<16xi32>,
    tpu.vector_store %arg6[%swap3A_1026, %swap3A_1027], %add3A_1024 {strides = array<i32>} : memref<16x128xi32, #tpu.memory_space<vmem>>, vector<16xi32>,
    %add3A_1029 = arith.constant 1000000 : i32
    %add3A_1030 = vector.broadcast %add3A_1029 : i32 to vector<16xi32>
    %add3A_1031 = arith.addi %get3A_1021, %add3A_1030 : vector<16xi32>
    %swap3A_1032 = arith.constant 13 : i32
    %swap3A_1033 = arith.index_cast %swap3A_1032 : i32 to index
    %swap3A_1034 = arith.constant 96 : index
    %swap3A_1035 = tpu.vector_load %arg6[%swap3A_1033, %swap3A_1034] {strides = array<i32>} : memref<16x128xi32, #tpu.memory_space<vmem>>, vector<16xi32>,
    tpu.vector_store %arg6[%swap3A_1033, %swap3A_1034], %add3A_1031 {strides = array<i32>} : memref<16x128xi32, #tpu.memory_space<vmem>>, vector<16xi32>,
    %add3A_1036 = arith.constant 2000000 : i32
    %add3A_1037 = vector.broadcast %add3A_1036 : i32 to vector<16xi32>
    %add3A_1038 = arith.addi %get3A_1021, %add3A_1037 : vector<16xi32>
    %swap3A_1039 = arith.constant 14 : i32
    %swap3A_1040 = arith.index_cast %swap3A_1039 : i32 to index
    %swap3A_1041 = arith.constant 96 : index
    %swap3A_1042 = tpu.vector_load %arg6[%swap3A_1040, %swap3A_1041] {strides = array<i32>} : memref<16x128xi32, #tpu.memory_space<vmem>>, vector<16xi32>,
    tpu.vector_store %arg6[%swap3A_1040, %swap3A_1041], %add3A_1038 {strides = array<i32>} : memref<16x128xi32, #tpu.memory_space<vmem>>, vector<16xi32>,
    %add3A_1043 = arith.constant 3000000 : i32
    %add3A_1044 = vector.broadcast %add3A_1043 : i32 to vector<16xi32>
    %add3A_1045 = arith.addi %get3A_1021, %add3A_1044 : vector<16xi32>
    %swap3A_1046 = arith.constant 15 : i32
    %swap3A_1047 = arith.index_cast %swap3A_1046 : i32 to index
    %swap3A_1048 = arith.constant 96 : index
    %swap3A_1049 = tpu.vector_load %arg6[%swap3A_1047, %swap3A_1048] {strides = array<i32>} : memref<16x128xi32, #tpu.memory_space<vmem>>, vector<16xi32>,
    tpu.vector_store %arg6[%swap3A_1047, %swap3A_1048], %add3A_1045 {strides = array<i32>} : memref<16x128xi32, #tpu.memory_space<vmem>>, vector<16xi32>,
    %get3A_1050 = arith.constant 496 : index
    %get3A_1051 = tpu.vector_load %arg5[%get3A_1050] {strides = array<i32>} : memref<512xi32, #tpu.memory_space<vmem>>, vector<16xi32>,
    %add3A_1052 = arith.constant 0 : i32
    %add3A_1053 = vector.broadcast %add3A_1052 : i32 to vector<16xi32>
    %add3A_1054 = arith.addi %get3A_1051, %add3A_1053 : vector<16xi32>
    %swap3A_1055 = arith.constant 12 : i32
    %swap3A_1056 = arith.index_cast %swap3A_1055 : i32 to index
    %swap3A_1057 = arith.constant 112 : index
    %swap3A_1058 = tpu.vector_load %arg6[%swap3A_1056, %swap3A_1057] {strides = array<i32>} : memref<16x128xi32, #tpu.memory_space<vmem>>, vector<16xi32>,
    tpu.vector_store %arg6[%swap3A_1056, %swap3A_1057], %add3A_1054 {strides = array<i32>} : memref<16x128xi32, #tpu.memory_space<vmem>>, vector<16xi32>,
    %add3A_1059 = arith.constant 1000000 : i32
    %add3A_1060 = vector.broadcast %add3A_1059 : i32 to vector<16xi32>
    %add3A_1061 = arith.addi %get3A_1051, %add3A_1060 : vector<16xi32>
    %swap3A_1062 = arith.constant 13 : i32
    %swap3A_1063 = arith.index_cast %swap3A_1062 : i32 to index
    %swap3A_1064 = arith.constant 112 : index
    %swap3A_1065 = tpu.vector_load %arg6[%swap3A_1063, %swap3A_1064] {strides = array<i32>} : memref<16x128xi32, #tpu.memory_space<vmem>>, vector<16xi32>,
    tpu.vector_store %arg6[%swap3A_1063, %swap3A_1064], %add3A_1061 {strides = array<i32>} : memref<16x128xi32, #tpu.memory_space<vmem>>, vector<16xi32>,
    %add3A_1066 = arith.constant 2000000 : i32
    %add3A_1067 = vector.broadcast %add3A_1066 : i32 to vector<16xi32>
    %add3A_1068 = arith.addi %get3A_1051, %add3A_1067 : vector<16xi32>
    %swap3A_1069 = arith.constant 14 : i32
    %swap3A_1070 = arith.index_cast %swap3A_1069 : i32 to index
    %swap3A_1071 = arith.constant 112 : index
    %swap3A_1072 = tpu.vector_load %arg6[%swap3A_1070, %swap3A_1071] {strides = array<i32>} : memref<16x128xi32, #tpu.memory_space<vmem>>, vector<16xi32>,
    tpu.vector_store %arg6[%swap3A_1070, %swap3A_1071], %add3A_1068 {strides = array<i32>} : memref<16x128xi32, #tpu.memory_space<vmem>>, vector<16xi32>,
    %add3A_1073 = arith.constant 3000000 : i32
    %add3A_1074 = vector.broadcast %add3A_1073 : i32 to vector<16xi32>
    %add3A_1075 = arith.addi %get3A_1051, %add3A_1074 : vector<16xi32>
    %swap3A_1076 = arith.constant 15 : i32
    %swap3A_1077 = arith.index_cast %swap3A_1076 : i32 to index
    %swap3A_1078 = arith.constant 112 : index
    %swap3A_1079 = tpu.vector_load %arg6[%swap3A_1077, %swap3A_1078] {strides = array<i32>} : memref<16x128xi32, #tpu.memory_space<vmem>>, vector<16xi32>,
    tpu.vector_store %arg6[%swap3A_1077, %swap3A_1078], %add3A_1075 {strides = array<i32>} : memref<16x128xi32, #tpu.memory_space<vmem>>, vector<16xi32>,
    %dma_start3A_1080 = arith.constant 12 : i32
    %dma_start3A_1081 = arith.constant 12 : i32
    %dma_start3A_1082 = arith.constant 0 : i32
    %dma_start3A_1083 = tpu.memref_slice %arg7[%dma_start3A_1081, %dma_start3A_1082] : memref<16x128xf32, #tpu.memory_space<vmem>> -> memref<1x128xf32, #tpu.memory_space<vmem>>
    %dma_start3A_1084 = tpu.memref_squeeze %dma_start3A_1083 : memref<1x128xf32, #tpu.memory_space<vmem>> -> memref<128xf32, #tpu.memory_space<vmem>>
    %dma_start3A_1085 = arith.constant 0 : i32
    %dma_start3A_1086 = tpu.memref_slice %arg6[%dma_start3A_1080, %dma_start3A_1085] : memref<16x128xi32, #tpu.memory_space<vmem>> -> memref<1x128xi32, #tpu.memory_space<vmem>>
    %dma_start3A_1087 = tpu.memref_squeeze %dma_start3A_1086 : memref<1x128xi32, #tpu.memory_space<vmem>> -> memref<128xi32, #tpu.memory_space<vmem>>
    %dma_start3A_1088 = arith.constant 0 : i32
    %dma_start3A_1089 = tpu.memref_slice %arg3[%dma_start3A_1088] : memref<4000000xf32, #tpu.memory_space<hbm>> -> memref<4000000xf32, #tpu.memory_space<hbm>>
    tpu.enqueue_indirect_dma source(%dma_start3A_1089 : memref<4000000xf32, #tpu.memory_space<hbm>>) target(%dma_start3A_1084 : memref<128xf32, #tpu.memory_space<vmem>>) offsets(%dma_start3A_1087 : memref<128xi32, #tpu.memory_space<vmem>>) semaphore(%arg8 : memref<!tpu.dma_semaphore, #tpu.memory_space<semaphore_mem>>)
    %dma_start3A_1090 = arith.constant 13 : i32
    %dma_start3A_1091 = arith.constant 13 : i32
    %dma_start3A_1092 = arith.constant 0 : i32
    %dma_start3A_1093 = tpu.memref_slice %arg7[%dma_start3A_1091, %dma_start3A_1092] : memref<16x128xf32, #tpu.memory_space<vmem>> -> memref<1x128xf32, #tpu.memory_space<vmem>>
    %dma_start3A_1094 = tpu.memref_squeeze %dma_start3A_1093 : memref<1x128xf32, #tpu.memory_space<vmem>> -> memref<128xf32, #tpu.memory_space<vmem>>
    %dma_start3A_1095 = arith.constant 0 : i32
    %dma_start3A_1096 = tpu.memref_slice %arg6[%dma_start3A_1090, %dma_start3A_1095] : memref<16x128xi32, #tpu.memory_space<vmem>> -> memref<1x128xi32, #tpu.memory_space<vmem>>
    %dma_start3A_1097 = tpu.memref_squeeze %dma_start3A_1096 : memref<1x128xi32, #tpu.memory_space<vmem>> -> memref<128xi32, #tpu.memory_space<vmem>>
    %dma_start3A_1098 = arith.constant 0 : i32
    %dma_start3A_1099 = tpu.memref_slice %arg3[%dma_start3A_1098] : memref<4000000xf32, #tpu.memory_space<hbm>> -> memref<4000000xf32, #tpu.memory_space<hbm>>
    tpu.enqueue_indirect_dma source(%dma_start3A_1099 : memref<4000000xf32, #tpu.memory_space<hbm>>) target(%dma_start3A_1094 : memref<128xf32, #tpu.memory_space<vmem>>) offsets(%dma_start3A_1097 : memref<128xi32, #tpu.memory_space<vmem>>) semaphore(%arg8 : memref<!tpu.dma_semaphore, #tpu.memory_space<semaphore_mem>>)
    %dma_start3A_1100 = arith.constant 14 : i32
    %dma_start3A_1101 = arith.constant 14 : i32
    %dma_start3A_1102 = arith.constant 0 : i32
    %dma_start3A_1103 = tpu.memref_slice %arg7[%dma_start3A_1101, %dma_start3A_1102] : memref<16x128xf32, #tpu.memory_space<vmem>> -> memref<1x128xf32, #tpu.memory_space<vmem>>
    %dma_start3A_1104 = tpu.memref_squeeze %dma_start3A_1103 : memref<1x128xf32, #tpu.memory_space<vmem>> -> memref<128xf32, #tpu.memory_space<vmem>>
    %dma_start3A_1105 = arith.constant 0 : i32
    %dma_start3A_1106 = tpu.memref_slice %arg6[%dma_start3A_1100, %dma_start3A_1105] : memref<16x128xi32, #tpu.memory_space<vmem>> -> memref<1x128xi32, #tpu.memory_space<vmem>>
    %dma_start3A_1107 = tpu.memref_squeeze %dma_start3A_1106 : memref<1x128xi32, #tpu.memory_space<vmem>> -> memref<128xi32, #tpu.memory_space<vmem>>
    %dma_start3A_1108 = arith.constant 0 : i32
    %dma_start3A_1109 = tpu.memref_slice %arg3[%dma_start3A_1108] : memref<4000000xf32, #tpu.memory_space<hbm>> -> memref<4000000xf32, #tpu.memory_space<hbm>>
    tpu.enqueue_indirect_dma source(%dma_start3A_1109 : memref<4000000xf32, #tpu.memory_space<hbm>>) target(%dma_start3A_1104 : memref<128xf32, #tpu.memory_space<vmem>>) offsets(%dma_start3A_1107 : memref<128xi32, #tpu.memory_space<vmem>>) semaphore(%arg8 : memref<!tpu.dma_semaphore, #tpu.memory_space<semaphore_mem>>)
    %dma_start3A_1110 = arith.constant 15 : i32
    %dma_start3A_1111 = arith.constant 15 : i32
    %dma_start3A_1112 = arith.constant 0 : i32
    %dma_start3A_1113 = tpu.memref_slice %arg7[%dma_start3A_1111, %dma_start3A_1112] : memref<16x128xf32, #tpu.memory_space<vmem>> -> memref<1x128xf32, #tpu.memory_space<vmem>>
    %dma_start3A_1114 = tpu.memref_squeeze %dma_start3A_1113 : memref<1x128xf32, #tpu.memory_space<vmem>> -> memref<128xf32, #tpu.memory_space<vmem>>
    %dma_start3A_1115 = arith.constant 0 : i32
    %dma_start3A_1116 = tpu.memref_slice %arg6[%dma_start3A_1110, %dma_start3A_1115] : memref<16x128xi32, #tpu.memory_space<vmem>> -> memref<1x128xi32, #tpu.memory_space<vmem>>
    %dma_start3A_1117 = tpu.memref_squeeze %dma_start3A_1116 : memref<1x128xi32, #tpu.memory_space<vmem>> -> memref<128xi32, #tpu.memory_space<vmem>>
    %dma_start3A_1118 = arith.constant 0 : i32
    %dma_start3A_1119 = tpu.memref_slice %arg3[%dma_start3A_1118] : memref<4000000xf32, #tpu.memory_space<hbm>> -> memref<4000000xf32, #tpu.memory_space<hbm>>
    tpu.enqueue_indirect_dma source(%dma_start3A_1119 : memref<4000000xf32, #tpu.memory_space<hbm>>) target(%dma_start3A_1114 : memref<128xf32, #tpu.memory_space<vmem>>) offsets(%dma_start3A_1117 : memref<128xi32, #tpu.memory_space<vmem>>) semaphore(%arg8 : memref<!tpu.dma_semaphore, #tpu.memory_space<semaphore_mem>>)
    %dma_wait3A = arith.constant 0 : i32
    %dma_wait3A_1120 = arith.constant 0 : i32
    %dma_wait3A_1121 = arith.constant 0 : i32
    %dma_wait3A_1122 = tpu.memref_slice %arg7[%dma_wait3A_1120, %dma_wait3A_1121] : memref<16x128xf32, #tpu.memory_space<vmem>> -> memref<1x128xf32, #tpu.memory_space<vmem>>
    %dma_wait3A_1123 = tpu.memref_squeeze %dma_wait3A_1122 : memref<1x128xf32, #tpu.memory_space<vmem>> -> memref<128xf32, #tpu.memory_space<vmem>>
    %dma_wait3A_1124 = arith.constant 0 : i32
    %dma_wait3A_1125 = tpu.memref_slice %arg6[%dma_wait3A, %dma_wait3A_1124] : memref<16x128xi32, #tpu.memory_space<vmem>> -> memref<1x128xi32, #tpu.memory_space<vmem>>
    %dma_wait3A_1126 = tpu.memref_squeeze %dma_wait3A_1125 : memref<1x128xi32, #tpu.memory_space<vmem>> -> memref<128xi32, #tpu.memory_space<vmem>>
    %dma_wait3A_1127 = arith.constant 0 : i32
    %dma_wait3A_1128 = tpu.memref_slice %arg3[%dma_wait3A_1127] : memref<4000000xf32, #tpu.memory_space<hbm>> -> memref<4000000xf32, #tpu.memory_space<hbm>>
    tpu.wait_indirect_dma semaphore(%arg8 : memref<!tpu.dma_semaphore, #tpu.memory_space<semaphore_mem>>) src(%dma_wait3A_1128 : memref<4000000xf32, #tpu.memory_space<hbm>>) dst(%dma_wait3A_1123 : memref<128xf32, #tpu.memory_space<vmem>>)
    %dma_wait3A_1129 = arith.constant 1 : i32
    %dma_wait3A_1130 = arith.constant 1 : i32
    %dma_wait3A_1131 = arith.constant 0 : i32
    %dma_wait3A_1132 = tpu.memref_slice %arg7[%dma_wait3A_1130, %dma_wait3A_1131] : memref<16x128xf32, #tpu.memory_space<vmem>> -> memref<1x128xf32, #tpu.memory_space<vmem>>
    %dma_wait3A_1133 = tpu.memref_squeeze %dma_wait3A_1132 : memref<1x128xf32, #tpu.memory_space<vmem>> -> memref<128xf32, #tpu.memory_space<vmem>>
    %dma_wait3A_1134 = arith.constant 0 : i32
    %dma_wait3A_1135 = tpu.memref_slice %arg6[%dma_wait3A_1129, %dma_wait3A_1134] : memref<16x128xi32, #tpu.memory_space<vmem>> -> memref<1x128xi32, #tpu.memory_space<vmem>>
    %dma_wait3A_1136 = tpu.memref_squeeze %dma_wait3A_1135 : memref<1x128xi32, #tpu.memory_space<vmem>> -> memref<128xi32, #tpu.memory_space<vmem>>
    %dma_wait3A_1137 = arith.constant 0 : i32
    %dma_wait3A_1138 = tpu.memref_slice %arg3[%dma_wait3A_1137] : memref<4000000xf32, #tpu.memory_space<hbm>> -> memref<4000000xf32, #tpu.memory_space<hbm>>
    tpu.wait_indirect_dma semaphore(%arg8 : memref<!tpu.dma_semaphore, #tpu.memory_space<semaphore_mem>>) src(%dma_wait3A_1138 : memref<4000000xf32, #tpu.memory_space<hbm>>) dst(%dma_wait3A_1133 : memref<128xf32, #tpu.memory_space<vmem>>)
    %dma_wait3A_1139 = arith.constant 2 : i32
    %dma_wait3A_1140 = arith.constant 2 : i32
    %dma_wait3A_1141 = arith.constant 0 : i32
    %dma_wait3A_1142 = tpu.memref_slice %arg7[%dma_wait3A_1140, %dma_wait3A_1141] : memref<16x128xf32, #tpu.memory_space<vmem>> -> memref<1x128xf32, #tpu.memory_space<vmem>>
    %dma_wait3A_1143 = tpu.memref_squeeze %dma_wait3A_1142 : memref<1x128xf32, #tpu.memory_space<vmem>> -> memref<128xf32, #tpu.memory_space<vmem>>
    %dma_wait3A_1144 = arith.constant 0 : i32
    %dma_wait3A_1145 = tpu.memref_slice %arg6[%dma_wait3A_1139, %dma_wait3A_1144] : memref<16x128xi32, #tpu.memory_space<vmem>> -> memref<1x128xi32, #tpu.memory_space<vmem>>
    %dma_wait3A_1146 = tpu.memref_squeeze %dma_wait3A_1145 : memref<1x128xi32, #tpu.memory_space<vmem>> -> memref<128xi32, #tpu.memory_space<vmem>>
    %dma_wait3A_1147 = arith.constant 0 : i32
    %dma_wait3A_1148 = tpu.memref_slice %arg3[%dma_wait3A_1147] : memref<4000000xf32, #tpu.memory_space<hbm>> -> memref<4000000xf32, #tpu.memory_space<hbm>>
    tpu.wait_indirect_dma semaphore(%arg8 : memref<!tpu.dma_semaphore, #tpu.memory_space<semaphore_mem>>) src(%dma_wait3A_1148 : memref<4000000xf32, #tpu.memory_space<hbm>>) dst(%dma_wait3A_1143 : memref<128xf32, #tpu.memory_space<vmem>>)
    %dma_wait3A_1149 = arith.constant 3 : i32
    %dma_wait3A_1150 = arith.constant 3 : i32
    %dma_wait3A_1151 = arith.constant 0 : i32
    %dma_wait3A_1152 = tpu.memref_slice %arg7[%dma_wait3A_1150, %dma_wait3A_1151] : memref<16x128xf32, #tpu.memory_space<vmem>> -> memref<1x128xf32, #tpu.memory_space<vmem>>
    %dma_wait3A_1153 = tpu.memref_squeeze %dma_wait3A_1152 : memref<1x128xf32, #tpu.memory_space<vmem>> -> memref<128xf32, #tpu.memory_space<vmem>>
    %dma_wait3A_1154 = arith.constant 0 : i32
    %dma_wait3A_1155 = tpu.memref_slice %arg6[%dma_wait3A_1149, %dma_wait3A_1154] : memref<16x128xi32, #tpu.memory_space<vmem>> -> memref<1x128xi32, #tpu.memory_space<vmem>>
    %dma_wait3A_1156 = tpu.memref_squeeze %dma_wait3A_1155 : memref<1x128xi32, #tpu.memory_space<vmem>> -> memref<128xi32, #tpu.memory_space<vmem>>
    %dma_wait3A_1157 = arith.constant 0 : i32
    %dma_wait3A_1158 = tpu.memref_slice %arg3[%dma_wait3A_1157] : memref<4000000xf32, #tpu.memory_space<hbm>> -> memref<4000000xf32, #tpu.memory_space<hbm>>
    tpu.wait_indirect_dma semaphore(%arg8 : memref<!tpu.dma_semaphore, #tpu.memory_space<semaphore_mem>>) src(%dma_wait3A_1158 : memref<4000000xf32, #tpu.memory_space<hbm>>) dst(%dma_wait3A_1153 : memref<128xf32, #tpu.memory_space<vmem>>)
    %dma_wait3A_1159 = arith.constant 4 : i32
    %dma_wait3A_1160 = arith.constant 4 : i32
    %dma_wait3A_1161 = arith.constant 0 : i32
    %dma_wait3A_1162 = tpu.memref_slice %arg7[%dma_wait3A_1160, %dma_wait3A_1161] : memref<16x128xf32, #tpu.memory_space<vmem>> -> memref<1x128xf32, #tpu.memory_space<vmem>>
    %dma_wait3A_1163 = tpu.memref_squeeze %dma_wait3A_1162 : memref<1x128xf32, #tpu.memory_space<vmem>> -> memref<128xf32, #tpu.memory_space<vmem>>
    %dma_wait3A_1164 = arith.constant 0 : i32
    %dma_wait3A_1165 = tpu.memref_slice %arg6[%dma_wait3A_1159, %dma_wait3A_1164] : memref<16x128xi32, #tpu.memory_space<vmem>> -> memref<1x128xi32, #tpu.memory_space<vmem>>
    %dma_wait3A_1166 = tpu.memref_squeeze %dma_wait3A_1165 : memref<1x128xi32, #tpu.memory_space<vmem>> -> memref<128xi32, #tpu.memory_space<vmem>>
    %dma_wait3A_1167 = arith.constant 0 : i32
    %dma_wait3A_1168 = tpu.memref_slice %arg3[%dma_wait3A_1167] : memref<4000000xf32, #tpu.memory_space<hbm>> -> memref<4000000xf32, #tpu.memory_space<hbm>>
    tpu.wait_indirect_dma semaphore(%arg8 : memref<!tpu.dma_semaphore, #tpu.memory_space<semaphore_mem>>) src(%dma_wait3A_1168 : memref<4000000xf32, #tpu.memory_space<hbm>>) dst(%dma_wait3A_1163 : memref<128xf32, #tpu.memory_space<vmem>>)
    %dma_wait3A_1169 = arith.constant 5 : i32
    %dma_wait3A_1170 = arith.constant 5 : i32
    %dma_wait3A_1171 = arith.constant 0 : i32
    %dma_wait3A_1172 = tpu.memref_slice %arg7[%dma_wait3A_1170, %dma_wait3A_1171] : memref<16x128xf32, #tpu.memory_space<vmem>> -> memref<1x128xf32, #tpu.memory_space<vmem>>
    %dma_wait3A_1173 = tpu.memref_squeeze %dma_wait3A_1172 : memref<1x128xf32, #tpu.memory_space<vmem>> -> memref<128xf32, #tpu.memory_space<vmem>>
    %dma_wait3A_1174 = arith.constant 0 : i32
    %dma_wait3A_1175 = tpu.memref_slice %arg6[%dma_wait3A_1169, %dma_wait3A_1174] : memref<16x128xi32, #tpu.memory_space<vmem>> -> memref<1x128xi32, #tpu.memory_space<vmem>>
    %dma_wait3A_1176 = tpu.memref_squeeze %dma_wait3A_1175 : memref<1x128xi32, #tpu.memory_space<vmem>> -> memref<128xi32, #tpu.memory_space<vmem>>
    %dma_wait3A_1177 = arith.constant 0 : i32
    %dma_wait3A_1178 = tpu.memref_slice %arg3[%dma_wait3A_1177] : memref<4000000xf32, #tpu.memory_space<hbm>> -> memref<4000000xf32, #tpu.memory_space<hbm>>
    tpu.wait_indirect_dma semaphore(%arg8 : memref<!tpu.dma_semaphore, #tpu.memory_space<semaphore_mem>>) src(%dma_wait3A_1178 : memref<4000000xf32, #tpu.memory_space<hbm>>) dst(%dma_wait3A_1173 : memref<128xf32, #tpu.memory_space<vmem>>)
    %dma_wait3A_1179 = arith.constant 6 : i32
    %dma_wait3A_1180 = arith.constant 6 : i32
    %dma_wait3A_1181 = arith.constant 0 : i32
    %dma_wait3A_1182 = tpu.memref_slice %arg7[%dma_wait3A_1180, %dma_wait3A_1181] : memref<16x128xf32, #tpu.memory_space<vmem>> -> memref<1x128xf32, #tpu.memory_space<vmem>>
    %dma_wait3A_1183 = tpu.memref_squeeze %dma_wait3A_1182 : memref<1x128xf32, #tpu.memory_space<vmem>> -> memref<128xf32, #tpu.memory_space<vmem>>
    %dma_wait3A_1184 = arith.constant 0 : i32
    %dma_wait3A_1185 = tpu.memref_slice %arg6[%dma_wait3A_1179, %dma_wait3A_1184] : memref<16x128xi32, #tpu.memory_space<vmem>> -> memref<1x128xi32, #tpu.memory_space<vmem>>
    %dma_wait3A_1186 = tpu.memref_squeeze %dma_wait3A_1185 : memref<1x128xi32, #tpu.memory_space<vmem>> -> memref<128xi32, #tpu.memory_space<vmem>>
    %dma_wait3A_1187 = arith.constant 0 : i32
    %dma_wait3A_1188 = tpu.memref_slice %arg3[%dma_wait3A_1187] : memref<4000000xf32, #tpu.memory_space<hbm>> -> memref<4000000xf32, #tpu.memory_space<hbm>>
    tpu.wait_indirect_dma semaphore(%arg8 : memref<!tpu.dma_semaphore, #tpu.memory_space<semaphore_mem>>) src(%dma_wait3A_1188 : memref<4000000xf32, #tpu.memory_space<hbm>>) dst(%dma_wait3A_1183 : memref<128xf32, #tpu.memory_space<vmem>>)
    %dma_wait3A_1189 = arith.constant 7 : i32
    %dma_wait3A_1190 = arith.constant 7 : i32
    %dma_wait3A_1191 = arith.constant 0 : i32
    %dma_wait3A_1192 = tpu.memref_slice %arg7[%dma_wait3A_1190, %dma_wait3A_1191] : memref<16x128xf32, #tpu.memory_space<vmem>> -> memref<1x128xf32, #tpu.memory_space<vmem>>
    %dma_wait3A_1193 = tpu.memref_squeeze %dma_wait3A_1192 : memref<1x128xf32, #tpu.memory_space<vmem>> -> memref<128xf32, #tpu.memory_space<vmem>>
    %dma_wait3A_1194 = arith.constant 0 : i32
    %dma_wait3A_1195 = tpu.memref_slice %arg6[%dma_wait3A_1189, %dma_wait3A_1194] : memref<16x128xi32, #tpu.memory_space<vmem>> -> memref<1x128xi32, #tpu.memory_space<vmem>>
    %dma_wait3A_1196 = tpu.memref_squeeze %dma_wait3A_1195 : memref<1x128xi32, #tpu.memory_space<vmem>> -> memref<128xi32, #tpu.memory_space<vmem>>
    %dma_wait3A_1197 = arith.constant 0 : i32
    %dma_wait3A_1198 = tpu.memref_slice %arg3[%dma_wait3A_1197] : memref<4000000xf32, #tpu.memory_space<hbm>> -> memref<4000000xf32, #tpu.memory_space<hbm>>
    tpu.wait_indirect_dma semaphore(%arg8 : memref<!tpu.dma_semaphore, #tpu.memory_space<semaphore_mem>>) src(%dma_wait3A_1198 : memref<4000000xf32, #tpu.memory_space<hbm>>) dst(%dma_wait3A_1193 : memref<128xf32, #tpu.memory_space<vmem>>)
    %dma_wait3A_1199 = arith.constant 8 : i32
    %dma_wait3A_1200 = arith.constant 8 : i32
    %dma_wait3A_1201 = arith.constant 0 : i32
    %dma_wait3A_1202 = tpu.memref_slice %arg7[%dma_wait3A_1200, %dma_wait3A_1201] : memref<16x128xf32, #tpu.memory_space<vmem>> -> memref<1x128xf32, #tpu.memory_space<vmem>>
    %dma_wait3A_1203 = tpu.memref_squeeze %dma_wait3A_1202 : memref<1x128xf32, #tpu.memory_space<vmem>> -> memref<128xf32, #tpu.memory_space<vmem>>
    %dma_wait3A_1204 = arith.constant 0 : i32
    %dma_wait3A_1205 = tpu.memref_slice %arg6[%dma_wait3A_1199, %dma_wait3A_1204] : memref<16x128xi32, #tpu.memory_space<vmem>> -> memref<1x128xi32, #tpu.memory_space<vmem>>
    %dma_wait3A_1206 = tpu.memref_squeeze %dma_wait3A_1205 : memref<1x128xi32, #tpu.memory_space<vmem>> -> memref<128xi32, #tpu.memory_space<vmem>>
    %dma_wait3A_1207 = arith.constant 0 : i32
    %dma_wait3A_1208 = tpu.memref_slice %arg3[%dma_wait3A_1207] : memref<4000000xf32, #tpu.memory_space<hbm>> -> memref<4000000xf32, #tpu.memory_space<hbm>>
    tpu.wait_indirect_dma semaphore(%arg8 : memref<!tpu.dma_semaphore, #tpu.memory_space<semaphore_mem>>) src(%dma_wait3A_1208 : memref<4000000xf32, #tpu.memory_space<hbm>>) dst(%dma_wait3A_1203 : memref<128xf32, #tpu.memory_space<vmem>>)
    %dma_wait3A_1209 = arith.constant 9 : i32
    %dma_wait3A_1210 = arith.constant 9 : i32
    %dma_wait3A_1211 = arith.constant 0 : i32
    %dma_wait3A_1212 = tpu.memref_slice %arg7[%dma_wait3A_1210, %dma_wait3A_1211] : memref<16x128xf32, #tpu.memory_space<vmem>> -> memref<1x128xf32, #tpu.memory_space<vmem>>
    %dma_wait3A_1213 = tpu.memref_squeeze %dma_wait3A_1212 : memref<1x128xf32, #tpu.memory_space<vmem>> -> memref<128xf32, #tpu.memory_space<vmem>>
    %dma_wait3A_1214 = arith.constant 0 : i32
    %dma_wait3A_1215 = tpu.memref_slice %arg6[%dma_wait3A_1209, %dma_wait3A_1214] : memref<16x128xi32, #tpu.memory_space<vmem>> -> memref<1x128xi32, #tpu.memory_space<vmem>>
    %dma_wait3A_1216 = tpu.memref_squeeze %dma_wait3A_1215 : memref<1x128xi32, #tpu.memory_space<vmem>> -> memref<128xi32, #tpu.memory_space<vmem>>
    %dma_wait3A_1217 = arith.constant 0 : i32
    %dma_wait3A_1218 = tpu.memref_slice %arg3[%dma_wait3A_1217] : memref<4000000xf32, #tpu.memory_space<hbm>> -> memref<4000000xf32, #tpu.memory_space<hbm>>
    tpu.wait_indirect_dma semaphore(%arg8 : memref<!tpu.dma_semaphore, #tpu.memory_space<semaphore_mem>>) src(%dma_wait3A_1218 : memref<4000000xf32, #tpu.memory_space<hbm>>) dst(%dma_wait3A_1213 : memref<128xf32, #tpu.memory_space<vmem>>)
    %dma_wait3A_1219 = arith.constant 10 : i32
    %dma_wait3A_1220 = arith.constant 10 : i32
    %dma_wait3A_1221 = arith.constant 0 : i32
    %dma_wait3A_1222 = tpu.memref_slice %arg7[%dma_wait3A_1220, %dma_wait3A_1221] : memref<16x128xf32, #tpu.memory_space<vmem>> -> memref<1x128xf32, #tpu.memory_space<vmem>>
    %dma_wait3A_1223 = tpu.memref_squeeze %dma_wait3A_1222 : memref<1x128xf32, #tpu.memory_space<vmem>> -> memref<128xf32, #tpu.memory_space<vmem>>
    %dma_wait3A_1224 = arith.constant 0 : i32
    %dma_wait3A_1225 = tpu.memref_slice %arg6[%dma_wait3A_1219, %dma_wait3A_1224] : memref<16x128xi32, #tpu.memory_space<vmem>> -> memref<1x128xi32, #tpu.memory_space<vmem>>
    %dma_wait3A_1226 = tpu.memref_squeeze %dma_wait3A_1225 : memref<1x128xi32, #tpu.memory_space<vmem>> -> memref<128xi32, #tpu.memory_space<vmem>>
    %dma_wait3A_1227 = arith.constant 0 : i32
    %dma_wait3A_1228 = tpu.memref_slice %arg3[%dma_wait3A_1227] : memref<4000000xf32, #tpu.memory_space<hbm>> -> memref<4000000xf32, #tpu.memory_space<hbm>>
    tpu.wait_indirect_dma semaphore(%arg8 : memref<!tpu.dma_semaphore, #tpu.memory_space<semaphore_mem>>) src(%dma_wait3A_1228 : memref<4000000xf32, #tpu.memory_space<hbm>>) dst(%dma_wait3A_1223 : memref<128xf32, #tpu.memory_space<vmem>>)
    %dma_wait3A_1229 = arith.constant 11 : i32
    %dma_wait3A_1230 = arith.constant 11 : i32
    %dma_wait3A_1231 = arith.constant 0 : i32
    %dma_wait3A_1232 = tpu.memref_slice %arg7[%dma_wait3A_1230, %dma_wait3A_1231] : memref<16x128xf32, #tpu.memory_space<vmem>> -> memref<1x128xf32, #tpu.memory_space<vmem>>
    %dma_wait3A_1233 = tpu.memref_squeeze %dma_wait3A_1232 : memref<1x128xf32, #tpu.memory_space<vmem>> -> memref<128xf32, #tpu.memory_space<vmem>>
    %dma_wait3A_1234 = arith.constant 0 : i32
    %dma_wait3A_1235 = tpu.memref_slice %arg6[%dma_wait3A_1229, %dma_wait3A_1234] : memref<16x128xi32, #tpu.memory_space<vmem>> -> memref<1x128xi32, #tpu.memory_space<vmem>>
    %dma_wait3A_1236 = tpu.memref_squeeze %dma_wait3A_1235 : memref<1x128xi32, #tpu.memory_space<vmem>> -> memref<128xi32, #tpu.memory_space<vmem>>
    %dma_wait3A_1237 = arith.constant 0 : i32
    %dma_wait3A_1238 = tpu.memref_slice %arg3[%dma_wait3A_1237] : memref<4000000xf32, #tpu.memory_space<hbm>> -> memref<4000000xf32, #tpu.memory_space<hbm>>
    tpu.wait_indirect_dma semaphore(%arg8 : memref<!tpu.dma_semaphore, #tpu.memory_space<semaphore_mem>>) src(%dma_wait3A_1238 : memref<4000000xf32, #tpu.memory_space<hbm>>) dst(%dma_wait3A_1233 : memref<128xf32, #tpu.memory_space<vmem>>)
    %dma_wait3A_1239 = arith.constant 12 : i32
    %dma_wait3A_1240 = arith.constant 12 : i32
    %dma_wait3A_1241 = arith.constant 0 : i32
    %dma_wait3A_1242 = tpu.memref_slice %arg7[%dma_wait3A_1240, %dma_wait3A_1241] : memref<16x128xf32, #tpu.memory_space<vmem>> -> memref<1x128xf32, #tpu.memory_space<vmem>>
    %dma_wait3A_1243 = tpu.memref_squeeze %dma_wait3A_1242 : memref<1x128xf32, #tpu.memory_space<vmem>> -> memref<128xf32, #tpu.memory_space<vmem>>
    %dma_wait3A_1244 = arith.constant 0 : i32
    %dma_wait3A_1245 = tpu.memref_slice %arg6[%dma_wait3A_1239, %dma_wait3A_1244] : memref<16x128xi32, #tpu.memory_space<vmem>> -> memref<1x128xi32, #tpu.memory_space<vmem>>
    %dma_wait3A_1246 = tpu.memref_squeeze %dma_wait3A_1245 : memref<1x128xi32, #tpu.memory_space<vmem>> -> memref<128xi32, #tpu.memory_space<vmem>>
    %dma_wait3A_1247 = arith.constant 0 : i32
    %dma_wait3A_1248 = tpu.memref_slice %arg3[%dma_wait3A_1247] : memref<4000000xf32, #tpu.memory_space<hbm>> -> memref<4000000xf32, #tpu.memory_space<hbm>>
    tpu.wait_indirect_dma semaphore(%arg8 : memref<!tpu.dma_semaphore, #tpu.memory_space<semaphore_mem>>) src(%dma_wait3A_1248 : memref<4000000xf32, #tpu.memory_space<hbm>>) dst(%dma_wait3A_1243 : memref<128xf32, #tpu.memory_space<vmem>>)
    %dma_wait3A_1249 = arith.constant 13 : i32
    %dma_wait3A_1250 = arith.constant 13 : i32
    %dma_wait3A_1251 = arith.constant 0 : i32
    %dma_wait3A_1252 = tpu.memref_slice %arg7[%dma_wait3A_1250, %dma_wait3A_1251] : memref<16x128xf32, #tpu.memory_space<vmem>> -> memref<1x128xf32, #tpu.memory_space<vmem>>
    %dma_wait3A_1253 = tpu.memref_squeeze %dma_wait3A_1252 : memref<1x128xf32, #tpu.memory_space<vmem>> -> memref<128xf32, #tpu.memory_space<vmem>>
    %dma_wait3A_1254 = arith.constant 0 : i32
    %dma_wait3A_1255 = tpu.memref_slice %arg6[%dma_wait3A_1249, %dma_wait3A_1254] : memref<16x128xi32, #tpu.memory_space<vmem>> -> memref<1x128xi32, #tpu.memory_space<vmem>>
    %dma_wait3A_1256 = tpu.memref_squeeze %dma_wait3A_1255 : memref<1x128xi32, #tpu.memory_space<vmem>> -> memref<128xi32, #tpu.memory_space<vmem>>
    %dma_wait3A_1257 = arith.constant 0 : i32
    %dma_wait3A_1258 = tpu.memref_slice %arg3[%dma_wait3A_1257] : memref<4000000xf32, #tpu.memory_space<hbm>> -> memref<4000000xf32, #tpu.memory_space<hbm>>
    tpu.wait_indirect_dma semaphore(%arg8 : memref<!tpu.dma_semaphore, #tpu.memory_space<semaphore_mem>>) src(%dma_wait3A_1258 : memref<4000000xf32, #tpu.memory_space<hbm>>) dst(%dma_wait3A_1253 : memref<128xf32, #tpu.memory_space<vmem>>)
    %dma_wait3A_1259 = arith.constant 14 : i32
    %dma_wait3A_1260 = arith.constant 14 : i32
    %dma_wait3A_1261 = arith.constant 0 : i32
    %dma_wait3A_1262 = tpu.memref_slice %arg7[%dma_wait3A_1260, %dma_wait3A_1261] : memref<16x128xf32, #tpu.memory_space<vmem>> -> memref<1x128xf32, #tpu.memory_space<vmem>>
    %dma_wait3A_1263 = tpu.memref_squeeze %dma_wait3A_1262 : memref<1x128xf32, #tpu.memory_space<vmem>> -> memref<128xf32, #tpu.memory_space<vmem>>
    %dma_wait3A_1264 = arith.constant 0 : i32
    %dma_wait3A_1265 = tpu.memref_slice %arg6[%dma_wait3A_1259, %dma_wait3A_1264] : memref<16x128xi32, #tpu.memory_space<vmem>> -> memref<1x128xi32, #tpu.memory_space<vmem>>
    %dma_wait3A_1266 = tpu.memref_squeeze %dma_wait3A_1265 : memref<1x128xi32, #tpu.memory_space<vmem>> -> memref<128xi32, #tpu.memory_space<vmem>>
    %dma_wait3A_1267 = arith.constant 0 : i32
    %dma_wait3A_1268 = tpu.memref_slice %arg3[%dma_wait3A_1267] : memref<4000000xf32, #tpu.memory_space<hbm>> -> memref<4000000xf32, #tpu.memory_space<hbm>>
    tpu.wait_indirect_dma semaphore(%arg8 : memref<!tpu.dma_semaphore, #tpu.memory_space<semaphore_mem>>) src(%dma_wait3A_1268 : memref<4000000xf32, #tpu.memory_space<hbm>>) dst(%dma_wait3A_1263 : memref<128xf32, #tpu.memory_space<vmem>>)
    %dma_wait3A_1269 = arith.constant 15 : i32
    %dma_wait3A_1270 = arith.constant 15 : i32
    %dma_wait3A_1271 = arith.constant 0 : i32
    %dma_wait3A_1272 = tpu.memref_slice %arg7[%dma_wait3A_1270, %dma_wait3A_1271] : memref<16x128xf32, #tpu.memory_space<vmem>> -> memref<1x128xf32, #tpu.memory_space<vmem>>
    %dma_wait3A_1273 = tpu.memref_squeeze %dma_wait3A_1272 : memref<1x128xf32, #tpu.memory_space<vmem>> -> memref<128xf32, #tpu.memory_space<vmem>>
    %dma_wait3A_1274 = arith.constant 0 : i32
    %dma_wait3A_1275 = tpu.memref_slice %arg6[%dma_wait3A_1269, %dma_wait3A_1274] : memref<16x128xi32, #tpu.memory_space<vmem>> -> memref<1x128xi32, #tpu.memory_space<vmem>>
    %dma_wait3A_1276 = tpu.memref_squeeze %dma_wait3A_1275 : memref<1x128xi32, #tpu.memory_space<vmem>> -> memref<128xi32, #tpu.memory_space<vmem>>
    %dma_wait3A_1277 = arith.constant 0 : i32
    %dma_wait3A_1278 = tpu.memref_slice %arg3[%dma_wait3A_1277] : memref<4000000xf32, #tpu.memory_space<hbm>> -> memref<4000000xf32, #tpu.memory_space<hbm>>
    tpu.wait_indirect_dma semaphore(%arg8 : memref<!tpu.dma_semaphore, #tpu.memory_space<semaphore_mem>>) src(%dma_wait3A_1278 : memref<4000000xf32, #tpu.memory_space<hbm>>) dst(%dma_wait3A_1273 : memref<128xf32, #tpu.memory_space<vmem>>)
    %mul3A_1279 = arith.constant 4 : i32
    %mul3A_1280 = arith.muli %add3A, %mul3A_1279 : i32
    %mul3A_1281 = arith.constant 4 : i32
    %mul3A_1282 = arith.muli %mul3A_1280, %mul3A_1281 : i32
    "tpu.region"() ({
      %run_scoped3A = tpu.sem_alloc : memref<!tpu.dma_semaphore, #tpu.memory_space<semaphore_mem>>
      %dma_start3A_1283 = arith.constant 0 : i32
      %dma_start3A_1284 = tpu.memref_slice %arg4[%mul3A_1282, %dma_start3A_1283] : memref<512x128xf32, #tpu.memory_space<hbm>> -> memref<16x128xf32, #tpu.memory_space<hbm>>
      %dma_start3A_1285 = arith.constant 0 : i32
      %dma_start3A_1286 = tpu.memref_slice %arg4[%mul3A_1282, %dma_start3A_1285] : memref<512x128xf32, #tpu.memory_space<hbm>> -> memref<16x128xf32, #tpu.memory_space<hbm>>
      tpu.enqueue_dma source(%arg7 : memref<16x128xf32, #tpu.memory_space<vmem>>) target(%dma_start3A_1286 : memref<16x128xf32, #tpu.memory_space<hbm>>) target_semaphore(%run_scoped3A : memref<!tpu.dma_semaphore, #tpu.memory_space<semaphore_mem>>)
      %dma_wait3A_1287 = arith.constant 0 : i32
      %dma_wait3A_1288 = tpu.memref_slice %arg4[%mul3A_1282, %dma_wait3A_1287] : memref<512x128xf32, #tpu.memory_space<hbm>> -> memref<16x128xf32, #tpu.memory_space<hbm>>
      %dma_wait3A_1289 = arith.constant 0 : i32
      %dma_wait3A_1290 = tpu.memref_slice %arg4[%mul3A_1282, %dma_wait3A_1289] : memref<512x128xf32, #tpu.memory_space<hbm>> -> memref<16x128xf32, #tpu.memory_space<hbm>>
      tpu.wait_dma2 semaphore(%run_scoped3A : memref<!tpu.dma_semaphore, #tpu.memory_space<semaphore_mem>>) src(%arg7 : memref<16x128xf32, #tpu.memory_space<vmem>>) dst(%dma_wait3A_1290 : memref<16x128xf32, #tpu.memory_space<hbm>>)
      tpu.yield
    }) : () -> ()
    return
  }
}

</mosaic_0001>

<sc_bundles>
// kernel: kernel.3.cloned.1.call-start
scs
__scs_entry_jumppad:
0x0: {  	(pc) =	sbr.rel $0x88, $3  }
0x1: {  	(tag) =	ssettag $0x0;
	lr =	simm.s32 $0x1  }
0x2: {  	[smem:$0x3F9F] =	sst lr;
	_ =	strace $0xD0000000  }
0x3: {  	_ = 	snop  }
0x4: {  	_ = 	snop  }
0x5: {  	_ = 	snop  }
0x6: {  	_ = 	snop  }
0x7: {  	_ = 	snop  }
__scs_overlays_trampoline_lowered:
0x8: {  	[smem:$0x3FAE] =	sst s0  }
0x9: {  	[smem:$0x3FAF] =	sst s1  }
0xa: {  	[smem:$0x3FB0] =	sst s2  }
0xb: {  	[smem:$0x3FB1] =	sst s3  }
0xc: {  	[smem:$0x3FB2] =	sst s4  }
0xd: {  	[smem:$0x3FB3] =	sst s5  }
0xe: {  	[smem:$0x3FB4] =	sst s6  }
0xf: {  	[smem:$0x3FB5] =	sst s7  }
0x10: {  	[smem:$0x3FB6] =	sst s8  }
0x11: {  	[smem:$0x3FB7] =	sst s9;
	s0 =	simm.s32 @!p0 $0x0  }
0x12: {  	s1 =	sld [smem:$0x3F9D];
	s0 =	simm.s32 @p0 $0x1  }
0x13: {  	[smem:$0x3FB8] =	sst s0;
	s0 =	simm.s32 @!p1 $0x0  }
0x14: {  	s2 =	sld [smem:$0x3F9C];
	s0 =	simm.s32 @p1 $0x1  }
0x15: {  	[smem:$0x3FB9] =	sst s0;
	s0 =	simm.s32 @!p2 $0x0  }
0x16: {  	s3 =	sld [smem:$0x3FDB];
	s0 =	simm.s32 @p2 $0x1  }
0x17: {  	s4 =	simm.s32 $0x1BF5;
	[smem:$0x3FBB] =	sst s0  }
0x18: {  	s0 =	sld [smem:$0x3F9E];
	_ =	swait.ge [sflag:s4], $0x0  }
0x19: {  	s7 =	sld [smem:$0x3F9F]  }
0x1a: {  	s8 =	sadd.s32 $0xFFFFE003, lr  }
0x1b: {  	s9 =	sadd.s32 $0xFFFFFEF7, lr;
	s5 =	simm.s32 $0xFFFFFFFF;
	p2 =	slt.u32 s8, $0xFFFFF086  }
0x1c: {  	p1 =	slt.u32 s9, $0xF7A;
	s5 =	simm.s32 @!p2 $0x0  }
0x1d: {  	s5 =	simm.s32 @p1 $0x1;
	p0 =	seq.s32 s7, s2  }
0x1e: {  	s7 =	smul.u32 @!p0 $0xF7A, s2;
	p2 =	seq.s32 @!p0 s5, $0x0  }
0x1f: {  	s9 =	smul.u32 $0xF7A, s1;
	s8 =	simm.s32 @!p0 $0x1BF5;
	p2 =	por !p2, p0  }
0x20: {  	[sflag:s8] =	ssyncset.s32 @!p0 $0xFFFFF086;
	s6 =	sadd.s32 @!p0 s3, s7;
	s7 =	simm.s32 @!p0 $0x108  }
0x21: {  	s3 =	sadd.s32 s3, s9;
	s6 =	sadd.s32 @!p0 $0x88, s6;
	s7 =	simm.s32 @p2 $0x1082  }
0x22: {  	[simem:s7], [sflag:s8] =	dma.local @!p0 [hbm:s6], $0xF7A  }
0x23: {  	s9 =	sor.u32 $0xD0000000, s2;
	s6 =	simm.s32 $0x108;
	_ =	swait.ge @!p0 [sflag:s8], $0x0  }
0x24: {  	s3 =	sadd.s32 $0x88, s3;
	s6 =	simm.s32 @!p1 $0x1082;
	[sflag:s4] =	ssyncset.s32 $0xFFFFF086  }
0x25: {  	[simem:s6], [sflag:s4] =	dma.local [hbm:s3], $0xF7A  }
0x26: {  	[smem:$0x3F9F] =	sst s1;
	(tag) =	ssettag s2;
	_ =	strace s9  }
0x27: {  	s1 =	sld [smem:$0x3FAF]  }
0x28: {  	s2 =	sld [smem:$0x3FB0]  }
0x29: {  	s4 =	sld [smem:$0x3FB2]  }
0x2a: {  	p0 =	seq.s32 s5, $0x0;
	s5 =	sld [smem:$0x3FB3]  }
0x2b: {  	s6 =	sld [smem:$0x3FB4]  }
0x2c: {  	s7 =	sld [smem:$0x3FB5]  }
0x2d: {  	s3 =	simm.s32 $0x108;
	s8 =	sld [smem:$0x3FB6]  }
0x2e: {  	s3 =	simm.s32 @!p0 $0x1082;
	s9 =	sld [smem:$0x3FB7]  }
0x2f: {  	lr =	sadd.s32 s0, s3;
	s0 =	sld [smem:$0x3FAE]  }
0x30: {  	s3 =	sld [smem:$0x3FB1]  }
0x31: {  	[smem:$0x3FBA] =	sst s10  }
0x32: {  	s10 =	sld [smem:$0x3FB8];
	_ =	sdelay $0x3  }
0x33: {  	p0 =	seq.s32 s10, $0x1;
	s10 =	sld [smem:$0x3FBA];
	_ =	sdelay $0x3  }
0x34: {  	[smem:$0x3FBA] =	sst s10  }
0x35: {  	s10 =	sld [smem:$0x3FB9];
	_ =	sdelay $0x3  }
0x36: {  	p1 =	seq.s32 s10, $0x1;
	s10 =	sld [smem:$0x3FBA];
	_ =	sdelay $0x3  }
0x37: {  	[smem:$0x3FBA] =	sst s10  }
0x38: {  	s10 =	sld [smem:$0x3FBB]  }
0x39: {  	_ = 	snop;
	(pc) =	sbr.ind lr, $3  }
0x3a: {  	_ = 	snop  }
0x3b: {  	_ = 	snop  }
0x3c: {  	p2 =	seq.s32 s10, $0x1;
	s10 =	sld [smem:$0x3FBA]  }
0x3d: {  	_ =	shalt  }
0x3e: {  	_ =	shalt  }
0x3f: {  	_ =	shalt  }
0x40: {  	_ =	shalt  }
0x41: {  	_ =	shalt  }
0x42: {  	_ =	shalt  }
0x43: {  	_ =	shalt  }
0x44: {  	_ =	shalt  }
0x45: {  	_ =	shalt  }
0x46: {  	_ =	shalt  }
0x47: {  	_ =	shalt  }
0x48: {  	_ =	shalt  }
0x49: {  	_ =	shalt  }
0x4a: {  	_ =	shalt  }
0x4b: {  	_ =	shalt  }
0x4c: {  	_ =	shalt  }
0x4d: {  	_ =	shalt  }
0x4e: {  	_ =	shalt  }
0x4f: {  	_ =	shalt  }
0x50: {  	_ =	shalt  }
0x51: {  	_ =	shalt  }
0x52: {  	_ =	shalt  }
0x53: {  	_ =	shalt  }
0x54: {  	_ =	shalt  }
0x55: {  	_ =	shalt  }
0x56: {  	_ =	shalt  }
0x57: {  	_ =	shalt  }
0x58: {  	_ =	shalt  }
0x59: {  	_ =	shalt  }
0x5a: {  	_ =	shalt  }
0x5b: {  	_ =	shalt  }
0x5c: {  	_ =	shalt  }
0x5d: {  	_ =	shalt  }
0x5e: {  	_ =	shalt  }
0x5f: {  	_ =	shalt  }
0x60: {  	_ =	shalt  }
0x61: {  	_ =	shalt  }
0x62: {  	_ =	shalt  }
0x63: {  	_ =	shalt  }
0x64: {  	_ =	shalt  }
0x65: {  	_ =	shalt  }
0x66: {  	_ =	shalt  }
0x67: {  	_ =	shalt  }
0x68: {  	_ =	shalt  }
0x69: {  	_ =	shalt  }
0x6a: {  	_ =	shalt  }
0x6b: {  	_ =	shalt  }
0x6c: {  	_ =	shalt  }
0x6d: {  	_ =	shalt  }
0x6e: {  	_ =	shalt  }
0x6f: {  	_ =	shalt  }
0x70: {  	_ =	shalt  }
0x71: {  	_ =	shalt  }
0x72: {  	_ =	shalt  }
0x73: {  	_ =	shalt  }
0x74: {  	_ =	shalt  }
0x75: {  	_ =	shalt  }
0x76: {  	_ =	shalt  }
0x77: {  	_ =	shalt  }
0x78: {  	_ =	shalt  }
0x79: {  	_ =	shalt  }
0x7a: {  	_ =	shalt  }
0x7b: {  	_ =	shalt  }
0x7c: {  	_ =	shalt  }
0x7d: {  	_ =	shalt  }
0x7e: {  	_ =	shalt  }
0x7f: {  	_ =	shalt  }
0x80: {  	_ =	shalt  }
0x81: {  	_ =	shalt  }
0x82: {  	_ =	shalt  }
0x83: {  	_ =	shalt  }
0x84: {  	_ =	shalt  }
0x85: {  	_ =	shalt  }
0x86: {  	_ =	shalt  }
0x87: {  	_ =	shalt  }
.Lfunc_end0:
.L_simem_size_0:
called_computation_lowered:
.L_overlay_start_0:
0x88: {  	s2 =	sld [smem:$0x3FD9]  }
0x89: {  	s3 =	sld [smem:$0x3FFE];
	_ =	sdelay $0x1  }
0x8a: {  	s1 =	srdreg.scid  }
0x8b: {  	s0 =	sand.u32 $0x1, s1  }
0x8c: {  	s17 =	sshll.u32 s0, $0xA;
	s2 =	sadd.s32 s3, s2  }
0x8d: {  	s2 =	sadd.s32 s2, s17  }
0x8e: {  	[smem:$0x3FC6] =	sst s2  }
0x8f: {  	_ = 	snop  }
0x90: {  	s2 =	sld [smem:$0x3FC9]  }
0x91: {  	s18 =	sld [smem:$0x3FD0];
	(tm) =	ssettm $0x1  }
0x92: {  	s4 =	sld [smem:$0x3FFB];
	_ =	sdelay $0x3  }
0x93: {  	_ =	strace s4  }
0x94: {  	s4 =	sld [smem:$0x3FFC];
	_ =	sdelay $0x3  }
0x95: {  	_ =	strace s4  }
0x96: {  	s4 =	sld [smem:$0x3FFD];
	_ =	sdelay $0x3  }
0x97: {  	_ =	strace s4  }
0x98: {  	_ =	strace $0x8FFFFFFF  }
0x99: {  	s19 =	sld [smem:$0x3FDB];
	_ =	sdelay $0x1  }
0x9a: {  	s5 =	simm.s32 $_scs_section_size  }
0x9b: {  	s6 =	simm.s32 $_size__tile_overlayer_lowered;
	s7 =	simm.s32 $_tile_overlayer_lowered  }
0x9c: {  	s22 =	simm.s32 $0x1BFF;
	s21 =	sshll.u32 s7, $0x1;
	s4 =	sadd.s32 s5, s19  }
0x9d: {  	s8 =	simm.s32 $0x0;
	s20 =	sshll.u32 s6, $0x1;
	s6 =	sadd.s32 s21, s4  }
0x9e: {  	[timem:s8], [sflag:s22] =	dma.local [hbm:s6], s20  }
0x9f: {  	_ =	swait.ge [sflag:s22], s20  }
0xa0: {  	s5 =	ssub.s32 $0x0, s20;
	[sflag:s22] =	ssyncset.done $0x0  }
0xa1: {  	[sflag:s22] =	ssyncadd.s32 s5;
	_ =	sdelay $0x1  }
0xa2: {  	s23 =	simm.s32 $0x1B8B  }
0xa3: {  	_ =	swait.ge [sflag:s23], $0x1  }
0xa4: {  	[sflag:s23] =	ssyncset.done $0x0  }
0xa5: {  	s25 =	simm.s32 $0x1B8E;
	s24 =	sld [smem:$0x3FFE];
	[sflag:s23] =	ssyncadd.s32 $0xFFFFFFFF  }
0xa6: {  	s26 =	simm.s32 $execute0_lowered;
	[smem:$0x3FD2] =	sst s25  }
0xa7: {  	s6 =	sshll.u32 s26, $0x1;
	_ =	strace $0x80000046;
	[dreg:$0x1] =	wrdreg $0xFFFFFFFF  }
0xa8: {  	s28 =	simm.s32 $_size_execute0_lowered;
	s4 =	sadd.s32 s4, s6;
	[dreg:$0x0] =	wrdreg $0x0  }
0xa9: {  	s6 =	sshll.u32 s28, $0x1;
	[dreg:$0x2] =	wrdreg s4  }
0xaa: {  	[dreg:$0x3] =	wrdreg s6  }
0xab: {  	[dreg:$0x4] =	wrdreg $0xC0  }
0xac: {  	_ =	task [dreg:s8], $0x5FFFF  }
0xad: {  	[dreg:$0x1] =	wrdreg $0xFFFFFFFF  }
0xae: {  	[dreg:$0x0] =	wrdreg $0x60  }
0xaf: {  	[dreg:$0x2] =	wrdreg s2  }
0xb0: {  	[dreg:$0x3] =	wrdreg s24  }
0xb1: {  	[dreg:$0x4] =	wrdreg s18  }
0xb2: {  	[dreg:$0x5] =	wrdreg $0x9  }
0xb3: {  	_ =	task.clear_ibuf [dreg:s8], $0x6FFFF;
	_ =	strace $0x90000046  }
0xb4: {  	s29 =	simm.s32 $0x9;
	_ =	strace $0x80000048  }
0xb5: {  	_ =	swait.ge [sflag:s29], $0x1  }
0xb6: {  	[sflag:s29] =	ssyncadd.s32 $0xFFFFFFFF  }
0xb7: {  	_ =	strace $0x90000048  }
0xb8: {  	_ =	sfence  }
0xb9: {  	s30 =	sld [smem:$0x0];
	_ =	sdelay $0x2  }
0xba: {  	s31 =	sshll.u32 s1, $0xD;
	s1 =	sshrl.u32 s1, $0x2  }
0xbb: {  	s3 =	sand.u32 $0x4000, s31;
	s1 =	sadd.s32 s1, s30  }
0xbc: {  	s0 =	sor.u32 s3, s0;
	s1 =	sshll.u32 s1, $0x11  }
0xbd: {  	s0 =	sor.u32 s1, s0  }
0xbe: {  	s0 =	sadd.s32 $0x8F2B, s0  }
0xbf: {  	[sflag:s0] =	ssyncadd.remote.s32 $0x1  }
0xc0: {  	_ =	sfence.sel $0xFFFF  }
0xc1: {  	[dreg:$0x0] =	wrdreg $0xFFFFFFFF;
	(pc) =	sbr.abs _section_cstart, $3  }
0xc2: {  	[dreg:$0x1] =	wrdreg $0xFFFFFFFF  }
0xc3: {  	_ =	task.clear_ibuf [dreg:s8], $0x2FFFF;
	_ =	strace $0x9FFFFFFF  }
0xc4: {  	(tm) =	ssettm $0x7FFFFFFF  }
0xc5: {  	_ =	shalt  }
tec
execute0_lowered:
.L_overlay_start_1:
0x0: {  	(tag) =	ssettag $0x1  }
0x1: {  	s1 =	rddreg [dreg:$0x0]  }
0x2: {  	s3 =	rddreg [dreg:$0x1];
	s2 =	srdreg.scid  }
0x3: {  	s0 =	stileid.u32;
	s4 =	rddreg [dreg:$0x2]  }
0x4: {  	s18 =	simm.s32 $0x200;
	s19 =	simm.s32 $0x280;
	s20 =	simm.s32 $0xA80  }
0x5: {  	s22 =	simm.s32 $0x300;
	s23 =	simm.s32 $0xB00;
	s24 =	simm.s32 $0x380  }
0x6: {  	s25 =	simm.s32 $0xB80;
	s26 =	simm.s32 $0x400;
	s11 =	simm.s32 $0x500  }
0x7: {  	s12 =	simm.s32 $0xD00;
	s5 =	sand.u32 $0x1, s2;
	s2 =	simm.s32 $0x0  }
0x8: {  	s13 =	simm.s32 $0x580;
	s14 =	simm.s32 $0xD80;
	[smem:$0x7FF] =	sst s2  }
0x9: {  	s15 =	simm.s32 $0x600;
	_ =	strace $0x80000047;
	[dreg:$0x6] =	wrdreg s18  }
0xa: {  	s16 =	simm.s32 $0xE00;
	s28 =	simm.s32 $0x900;
	[dreg:$0x7] =	wrdreg s19  }
0xb: {  	s29 =	simm.s32 $0x1100;
	s30 =	simm.s32 $0x980;
	[dreg:$0x8] =	wrdreg s20  }
0xc: {  	s31 =	simm.s32 $0x1180;
	s6 =	sshll.u32 s0, $0x1;
	[dreg:$0x9] =	wrdreg s22  }
0xd: {  	s3 =	sadd.s32 $0x400, s3;
	s6 =	sor.u32 s5, s6;
	[dreg:$0xa] =	wrdreg s23  }
0xe: {  	s21 =	ssub.s32 $0x2, s5;
	s7 =	sshll.u32 s6, $0x6;
	[dreg:$0xb] =	wrdreg s24  }
0xf: {  	s6 =	sshll.u32 s6, $0x8;
	s5 =	sshrl.u32 s21, $0x1;
	[dreg:$0xc] =	wrdreg s25  }
0x10: {  	[dreg:$0xd] =	wrdreg s26;
	s18 =	simm.s32 $0xE80;
	s19 =	simm.s32 $0x700  }
0x11: {  	s20 =	simm.s32 $0xF00;
	s22 =	simm.s32 $0xF80;
	s23 =	simm.s32 $0x800  }
0x12: {  	s24 =	simm.s32 $0x1000;
	s25 =	simm.s32 $0x880;
	s26 =	simm.s32 $0x1080  }
0x13: {  	s1 =	sadd.s32 s1, s7;
	s17 =	sadd.s32 s4, s6;
	s4 =	ssub.s32 s21, s5  }
0x14: {  	s5 =	simm.s32 $0x2;
	s6 =	simm.s32 $0x80;
	[dreg:$0x4] =	wrdreg s1  }
0x15: {  	s7 =	simm.s32 $0xA00;
	s21 =	simm.s32 $0x780;
	[dreg:$0x5] =	wrdreg s17  }
0x16: {  	s4 =	smax.u32 s4, $0x1;
	s17 =	simm.s32 $0x680;
	s1 =	simm.s32 $0x1  }
.LBB2_1:
0x17: {  	s0 =	rddreg [dreg:$0x4]  }
0x18: {  	[tilespmem:s2], [sflag:$0x2] =	stream.linear.gather [hbm4b:s0+s2], $0x200, $0x38;
	[tilespmem:$0x1200] =	vst v63  }
0x19: {  	_ =	swait.ge [sflag:s5], $0x200  }
0x1a: {  	[sflag:s5] =	ssyncset.done $0x0  }
0x1b: {  	[sflag:s5] =	ssyncadd.s32 $0xFFFFFE00  }
0x1c: {  	v0 =	vld [tilespmem:$0x0]  }
0x1d: {  	v1 =	vld [tilespmem:$0x10]  }
0x1e: {  	v26 =	vld [tilespmem:$0x20]  }
0x1f: {  	v29 =	vld [tilespmem:$0x30]  }
0x20: {  	v32 =	vld [tilespmem:$0x40]  }
0x21: {  	v35 =	vld [tilespmem:$0x50];
	[tilespmem:$0x200] =	vst v0  }
0x22: {  	v38 =	vld [tilespmem:$0x60];
	[tilespmem:$0x210] =	vst v1  }
0x23: {  	v41 =	vld [tilespmem:$0x70];
	[tilespmem:$0x220] =	vst v26  }
0x24: {  	[tilespmem:$0x230] =	vst v29  }
0x25: {  	[tilespmem:$0x240] =	vst v32  }
0x26: {  	[tilespmem:$0x250] =	vst v35  }
0x27: {  	[tilespmem:$0x260] =	vst v38  }
0x28: {  	v2 =	vadd.s32 $0xF4240, v0;
	[tilespmem:$0x270] =	vst v41  }
0x29: {  	v25 =	vadd.s32 $0x1E8480, v0;
	[tilespmem:$0x280] =	vst v2  }
0x2a: {  	v0 =	vadd.s32 $0x2DC6C0, v0;
	[tilespmem:$0x300] =	vst v25  }
0x2b: {  	v27 =	vadd.s32 $0xF4240, v1;
	[tilespmem:$0x380] =	vst v0  }
0x2c: {  	v28 =	vadd.s32 $0x1E8480, v1;
	[tilespmem:$0x290] =	vst v27  }
0x2d: {  	v1 =	vadd.s32 $0x2DC6C0, v1;
	[tilespmem:$0x310] =	vst v28  }
0x2e: {  	v30 =	vadd.s32 $0xF4240, v26;
	[tilespmem:$0x390] =	vst v1  }
0x2f: {  	v31 =	vadd.s32 $0x1E8480, v26;
	[tilespmem:$0x2A0] =	vst v30  }
0x30: {  	v33 =	vadd.s32 $0xF4240, v29;
	[tilespmem:$0x320] =	vst v31  }
0x31: {  	v34 =	vadd.s32 $0x1E8480, v29;
	[tilespmem:$0x2B0] =	vst v33  }
0x32: {  	v36 =	vadd.s32 $0xF4240, v32;
	[tilespmem:$0x330] =	vst v34  }
0x33: {  	v37 =	vadd.s32 $0x1E8480, v32;
	[tilespmem:$0x2C0] =	vst v36  }
0x34: {  	v39 =	vadd.s32 $0xF4240, v35;
	[tilespmem:$0x340] =	vst v37  }
0x35: {  	v40 =	vadd.s32 $0x1E8480, v35;
	[tilespmem:$0x2D0] =	vst v39  }
0x36: {  	v42 =	vadd.s32 $0xF4240, v38;
	[tilespmem:$0x350] =	vst v40  }
0x37: {  	v43 =	vadd.s32 $0x1E8480, v38;
	[tilespmem:$0x2E0] =	vst v42  }
0x38: {  	v44 =	vadd.s32 $0xF4240, v41;
	[tilespmem:$0x360] =	vst v43  }
0x39: {  	v45 =	vadd.s32 $0x1E8480, v41;
	[tilespmem:$0x2F0] =	vst v44  }
0x3a: {  	v46 =	vadd.s32 $0x2DC6C0, v41;
	[tilespmem:$0x370] =	vst v45  }
0x3b: {  	v0 =	vadd.s32 $0x2DC6C0, v26;
	[tilespmem:$0x3F0] =	vst v46  }
0x3c: {  	v1 =	vadd.s32 $0x2DC6C0, v29;
	[tilespmem:$0x3A0] =	vst v0  }
0x3d: {  	s10 =	rddreg [dreg:$0x6];
	[tilespmem:$0x3B0] =	vst v1;
	v0 =	vadd.s32 $0x2DC6C0, v32  }
0x3e: {  	s8 =	rddreg [dreg:$0x7];
	v1 =	vadd.s32 $0x2DC6C0, v35;
	[tilespmem:$0x3C0] =	vst v0  }
0x3f: {  	s9 =	rddreg [dreg:$0x8];
	[tilespmem:$0x3D0] =	vst v1;
	v0 =	vadd.s32 $0x2DC6C0, v38  }
0x40: {  	s0 =	rddreg [dreg:$0x9];
	[tilespmem:$0x3E0] =	vst v0  }
0x41: {  	[tilespmem:s7], [sflag:$0x1] =	stream.indirect.gather [hbm4b:s3+s6], $0x1, s10, s6, $0xb8;
	[tilespmem:$0x1200] =	vst v63  }
0x42: {  	s10 =	rddreg [dreg:$0xc]  }
0x43: {  	[tilespmem:s9], [sflag:$0x1] =	stream.indirect.gather [hbm4b:s3+s6], $0x1, s8, s6, $0xb8;
	[tilespmem:$0x1200] =	vst v63  }
0x44: {  	s8 =	rddreg [dreg:$0xa]  }
0x45: {  	[tilespmem:s8], [sflag:$0x1] =	stream.indirect.gather [hbm4b:s3+s6], $0x1, s0, s6, $0xb8;
	[tilespmem:$0x1200] =	vst v63  }
0x46: {  	s9 =	rddreg [dreg:$0xb]  }
0x47: {  	[tilespmem:s10], [sflag:$0x1] =	stream.indirect.gather [hbm4b:s3+s6], $0x1, s9, s6, $0xb8;
	[tilespmem:$0x1200] =	vst v63  }
0x48: {  	v47 =	vld [tilespmem:$0x80]  }
0x49: {  	v48 =	vld [tilespmem:$0x90]  }
0x4a: {  	v51 =	vld [tilespmem:$0xA0]  }
0x4b: {  	v54 =	vld [tilespmem:$0xB0]  }
0x4c: {  	v57 =	vld [tilespmem:$0xC0]  }
0x4d: {  	v60 =	vld [tilespmem:$0xD0];
	[tilespmem:$0x400] =	vst v47  }
0x4e: {  	v63 =	vld [tilespmem:$0xE0];
	[tilespmem:$0x410] =	vst v48  }
0x4f: {  	v6 =	vld [tilespmem:$0xF0];
	[tilespmem:$0x420] =	vst v51  }
0x50: {  	[tilespmem:$0x430] =	vst v54  }
0x51: {  	[tilespmem:$0x440] =	vst v57  }
0x52: {  	[tilespmem:$0x450] =	vst v60  }
0x53: {  	[tilespmem:$0x460] =	vst v63  }
0x54: {  	v49 =	vadd.s32 $0xF4240, v47;
	[tilespmem:$0x470] =	vst v6  }
0x55: {  	v50 =	vadd.s32 $0x1E8480, v47;
	[tilespmem:$0x480] =	vst v49  }
0x56: {  	v0 =	vadd.s32 $0x2DC6C0, v47;
	[tilespmem:$0x500] =	vst v50  }
0x57: {  	v52 =	vadd.s32 $0xF4240, v48;
	[tilespmem:$0x580] =	vst v0  }
0x58: {  	v53 =	vadd.s32 $0x1E8480, v48;
	[tilespmem:$0x490] =	vst v52  }
0x59: {  	v1 =	vadd.s32 $0x2DC6C0, v48;
	[tilespmem:$0x510] =	vst v53  }
0x5a: {  	v55 =	vadd.s32 $0xF4240, v51;
	[tilespmem:$0x590] =	vst v1  }
0x5b: {  	v56 =	vadd.s32 $0x1E8480, v51;
	[tilespmem:$0x4A0] =	vst v55  }
0x5c: {  	v58 =	vadd.s32 $0xF4240, v54;
	[tilespmem:$0x520] =	vst v56  }
0x5d: {  	v59 =	vadd.s32 $0x1E8480, v54;
	[tilespmem:$0x4B0] =	vst v58  }
0x5e: {  	v61 =	vadd.s32 $0xF4240, v57;
	[tilespmem:$0x530] =	vst v59  }
0x5f: {  	v62 =	vadd.s32 $0x1E8480, v57;
	[tilespmem:$0x4C0] =	vst v61  }
0x60: {  	v4 =	vadd.s32 $0xF4240, v60;
	[tilespmem:$0x540] =	vst v62  }
0x61: {  	v5 =	vadd.s32 $0x1E8480, v60;
	[tilespmem:$0x4D0] =	vst v4  }
0x62: {  	v7 =	vadd.s32 $0xF4240, v63;
	[tilespmem:$0x550] =	vst v5  }
0x63: {  	v8 =	vadd.s32 $0x1E8480, v63;
	[tilespmem:$0x4E0] =	vst v7  }
0x64: {  	v9 =	vadd.s32 $0xF4240, v6;
	[tilespmem:$0x560] =	vst v8  }
0x65: {  	v10 =	vadd.s32 $0x1E8480, v6;
	[tilespmem:$0x4F0] =	vst v9  }
0x66: {  	v11 =	vadd.s32 $0x2DC6C0, v6;
	[tilespmem:$0x570] =	vst v10  }
0x67: {  	v0 =	vadd.s32 $0x2DC6C0, v51;
	[tilespmem:$0x5F0] =	vst v11  }
0x68: {  	v1 =	vadd.s32 $0x2DC6C0, v54;
	[tilespmem:$0x5A0] =	vst v0  }
0x69: {  	[tilespmem:$0x5B0] =	vst v1;
	v0 =	vadd.s32 $0x2DC6C0, v57  }
0x6a: {  	v1 =	vadd.s32 $0x2DC6C0, v60;
	[tilespmem:$0x5C0] =	vst v0  }
0x6b: {  	[tilespmem:$0x5D0] =	vst v1;
	v0 =	vadd.s32 $0x2DC6C0, v63  }
0x6c: {  	s9 =	rddreg [dreg:$0xd];
	s10 =	simm.s32 $0xC00;
	[tilespmem:$0x5E0] =	vst v0  }
0x6d: {  	[tilespmem:s10], [sflag:$0x1] =	stream.indirect.gather [hbm4b:s3+s6], $0x1, s9, s6, $0xb8;
	[tilespmem:$0x1200] =	vst v63  }
0x6e: {  	s8 =	simm.s32 $0x480;
	s9 =	simm.s32 $0xC80  }
0x6f: {  	[tilespmem:s9], [sflag:$0x1] =	stream.indirect.gather [hbm4b:s3+s6], $0x1, s8, s6, $0xb8;
	[tilespmem:$0x1200] =	vst v63  }
0x70: {  	_ = 	snop  }
0x71: {  	[tilespmem:s12], [sflag:$0x1] =	stream.indirect.gather [hbm4b:s3+s6], $0x1, s11, s6, $0xb8;
	[tilespmem:$0x1200] =	vst v63  }
0x72: {  	_ = 	snop  }
0x73: {  	[tilespmem:s14], [sflag:$0x1] =	stream.indirect.gather [hbm4b:s3+s6], $0x1, s13, s6, $0xb8;
	[tilespmem:$0x1200] =	vst v63  }
0x74: {  	v12 =	vld [tilespmem:$0x100]  }
0x75: {  	v13 =	vld [tilespmem:$0x110]  }
0x76: {  	v16 =	vld [tilespmem:$0x120]  }
0x77: {  	v19 =	vld [tilespmem:$0x130]  }
0x78: {  	v22 =	vld [tilespmem:$0x140]  }
0x79: {  	v25 =	vld [tilespmem:$0x150];
	[tilespmem:$0x600] =	vst v12  }
0x7a: {  	v28 =	vld [tilespmem:$0x160];
	[tilespmem:$0x610] =	vst v13  }
0x7b: {  	v31 =	vld [tilespmem:$0x170];
	[tilespmem:$0x620] =	vst v16  }
0x7c: {  	[tilespmem:$0x630] =	vst v19  }
0x7d: {  	[tilespmem:$0x640] =	vst v22  }
0x7e: {  	[tilespmem:$0x650] =	vst v25  }
0x7f: {  	[tilespmem:$0x660] =	vst v28  }
0x80: {  	v14 =	vadd.s32 $0xF4240, v12;
	[tilespmem:$0x670] =	vst v31  }
0x81: {  	v15 =	vadd.s32 $0x1E8480, v12;
	[tilespmem:$0x680] =	vst v14  }
0x82: {  	v0 =	vadd.s32 $0x2DC6C0, v12;
	[tilespmem:$0x700] =	vst v15  }
0x83: {  	v17 =	vadd.s32 $0xF4240, v13;
	[tilespmem:$0x780] =	vst v0  }
0x84: {  	v18 =	vadd.s32 $0x1E8480, v13;
	[tilespmem:$0x690] =	vst v17  }
0x85: {  	v1 =	vadd.s32 $0x2DC6C0, v13;
	[tilespmem:$0x710] =	vst v18  }
0x86: {  	v20 =	vadd.s32 $0xF4240, v16;
	[tilespmem:$0x790] =	vst v1  }
0x87: {  	v21 =	vadd.s32 $0x1E8480, v16;
	[tilespmem:$0x6A0] =	vst v20  }
0x88: {  	v23 =	vadd.s32 $0xF4240, v19;
	[tilespmem:$0x720] =	vst v21  }
0x89: {  	v24 =	vadd.s32 $0x1E8480, v19;
	[tilespmem:$0x6B0] =	vst v23  }
0x8a: {  	v26 =	vadd.s32 $0xF4240, v22;
	[tilespmem:$0x730] =	vst v24  }
0x8b: {  	v27 =	vadd.s32 $0x1E8480, v22;
	[tilespmem:$0x6C0] =	vst v26  }
0x8c: {  	v29 =	vadd.s32 $0xF4240, v25;
	[tilespmem:$0x740] =	vst v27  }
0x8d: {  	v30 =	vadd.s32 $0x1E8480, v25;
	[tilespmem:$0x6D0] =	vst v29  }
0x8e: {  	v32 =	vadd.s32 $0xF4240, v28;
	[tilespmem:$0x750] =	vst v30  }
0x8f: {  	v33 =	vadd.s32 $0x1E8480, v28;
	[tilespmem:$0x6E0] =	vst v32  }
0x90: {  	v34 =	vadd.s32 $0xF4240, v31;
	[tilespmem:$0x760] =	vst v33  }
0x91: {  	v35 =	vadd.s32 $0x1E8480, v31;
	[tilespmem:$0x6F0] =	vst v34  }
0x92: {  	v36 =	vadd.s32 $0x2DC6C0, v31;
	[tilespmem:$0x770] =	vst v35  }
0x93: {  	v0 =	vadd.s32 $0x2DC6C0, v16;
	[tilespmem:$0x7F0] =	vst v36  }
0x94: {  	v1 =	vadd.s32 $0x2DC6C0, v19;
	[tilespmem:$0x7A0] =	vst v0  }
0x95: {  	[tilespmem:$0x7B0] =	vst v1;
	v0 =	vadd.s32 $0x2DC6C0, v22  }
0x96: {  	v1 =	vadd.s32 $0x2DC6C0, v25;
	[tilespmem:$0x7C0] =	vst v0  }
0x97: {  	[tilespmem:$0x7D0] =	vst v1;
	v0 =	vadd.s32 $0x2DC6C0, v28  }
0x98: {  	[tilespmem:$0x7E0] =	vst v0  }
0x99: {  	[tilespmem:s16], [sflag:$0x1] =	stream.indirect.gather [hbm4b:s3+s6], $0x1, s15, s6, $0xb8;
	[tilespmem:$0x1200] =	vst v63  }
0x9a: {  	_ = 	snop  }
0x9b: {  	[tilespmem:s18], [sflag:$0x1] =	stream.indirect.gather [hbm4b:s3+s6], $0x1, s17, s6, $0xb8;
	[tilespmem:$0x1200] =	vst v63  }
0x9c: {  	_ = 	snop  }
0x9d: {  	[tilespmem:s20], [sflag:$0x1] =	stream.indirect.gather [hbm4b:s3+s6], $0x1, s19, s6, $0xb8;
	[tilespmem:$0x1200] =	vst v63  }
0x9e: {  	_ = 	snop  }
0x9f: {  	[tilespmem:s22], [sflag:$0x1] =	stream.indirect.gather [hbm4b:s3+s6], $0x1, s21, s6, $0xb8;
	[tilespmem:$0x1200] =	vst v63  }
0xa0: {  	v37 =	vld [tilespmem:$0x180]  }
0xa1: {  	v38 =	vld [tilespmem:$0x190]  }
0xa2: {  	v41 =	vld [tilespmem:$0x1A0]  }
0xa3: {  	v44 =	vld [tilespmem:$0x1B0]  }
0xa4: {  	v47 =	vld [tilespmem:$0x1C0]  }
0xa5: {  	v50 =	vld [tilespmem:$0x1D0];
	[tilespmem:$0x800] =	vst v37  }
0xa6: {  	v53 =	vld [tilespmem:$0x1E0];
	[tilespmem:$0x810] =	vst v38  }
0xa7: {  	v58 =	vld [tilespmem:$0x1F0];
	[tilespmem:$0x820] =	vst v41  }
0xa8: {  	[tilespmem:$0x830] =	vst v44  }
0xa9: {  	[tilespmem:$0x840] =	vst v47  }
0xaa: {  	[tilespmem:$0x850] =	vst v50  }
0xab: {  	[tilespmem:$0x860] =	vst v53  }
0xac: {  	v39 =	vadd.s32 $0xF4240, v37;
	[tilespmem:$0x870] =	vst v58  }
0xad: {  	v40 =	vadd.s32 $0x1E8480, v37;
	[tilespmem:$0x880] =	vst v39  }
0xae: {  	v0 =	vadd.s32 $0x2DC6C0, v37;
	[tilespmem:$0x900] =	vst v40  }
0xaf: {  	v42 =	vadd.s32 $0xF4240, v38;
	[tilespmem:$0x980] =	vst v0  }
0xb0: {  	v43 =	vadd.s32 $0x1E8480, v38;
	[tilespmem:$0x890] =	vst v42  }
0xb1: {  	v1 =	vadd.s32 $0x2DC6C0, v38;
	[tilespmem:$0x910] =	vst v43  }
0xb2: {  	v45 =	vadd.s32 $0xF4240, v41;
	[tilespmem:$0x990] =	vst v1  }
0xb3: {  	v46 =	vadd.s32 $0x1E8480, v41;
	[tilespmem:$0x8A0] =	vst v45  }
0xb4: {  	v48 =	vadd.s32 $0xF4240, v44;
	[tilespmem:$0x920] =	vst v46  }
0xb5: {  	v49 =	vadd.s32 $0x1E8480, v44;
	[tilespmem:$0x8B0] =	vst v48  }
0xb6: {  	v51 =	vadd.s32 $0xF4240, v47;
	[tilespmem:$0x930] =	vst v49  }
0xb7: {  	v52 =	vadd.s32 $0x1E8480, v47;
	[tilespmem:$0x8C0] =	vst v51  }
0xb8: {  	v54 =	vadd.s32 $0xF4240, v50;
	[tilespmem:$0x940] =	vst v52  }
0xb9: {  	v55 =	vadd.s32 $0x1E8480, v50;
	[tilespmem:$0x8D0] =	vst v54  }
0xba: {  	v56 =	vadd.s32 $0x2DC6C0, v50;
	[tilespmem:$0x950] =	vst v55  }
0xbb: {  	v57 =	vadd.s32 $0xF4240, v53;
	[tilespmem:$0x9D0] =	vst v56  }
0xbc: {  	v59 =	vadd.s32 $0x1E8480, v53;
	[tilespmem:$0x8E0] =	vst v57  }
0xbd: {  	v60 =	vadd.s32 $0x2DC6C0, v53;
	[tilespmem:$0x960] =	vst v59  }
0xbe: {  	v61 =	vadd.s32 $0xF4240, v58;
	[tilespmem:$0x9E0] =	vst v60  }
0xbf: {  	v62 =	vadd.s32 $0x1E8480, v58;
	[tilespmem:$0x8F0] =	vst v61  }
0xc0: {  	v63 =	vadd.s32 $0x2DC6C0, v58;
	[tilespmem:$0x970] =	vst v62  }
0xc1: {  	v0 =	vadd.s32 $0x2DC6C0, v41;
	[tilespmem:$0x9F0] =	vst v63  }
0xc2: {  	v1 =	vadd.s32 $0x2DC6C0, v44;
	[tilespmem:$0x9A0] =	vst v0  }
0xc3: {  	[tilespmem:$0x9B0] =	vst v1;
	v0 =	vadd.s32 $0x2DC6C0, v47  }
0xc4: {  	[tilespmem:$0x9C0] =	vst v0  }
0xc5: {  	[tilespmem:s24], [sflag:$0x1] =	stream.indirect.gather [hbm4b:s3+s6], $0x1, s23, s6, $0xb8;
	[tilespmem:$0x1200] =	vst v63  }
0xc6: {  	_ = 	snop  }
0xc7: {  	[tilespmem:s26], [sflag:$0x1] =	stream.indirect.gather [hbm4b:s3+s6], $0x1, s25, s6, $0xb8;
	[tilespmem:$0x1200] =	vst v63  }
0xc8: {  	_ = 	snop  }
0xc9: {  	[tilespmem:s29], [sflag:$0x1] =	stream.indirect.gather [hbm4b:s3+s6], $0x1, s28, s6, $0xb8;
	[tilespmem:$0x1200] =	vst v63  }
0xca: {  	_ = 	snop  }
0xcb: {  	[tilespmem:s31], [sflag:$0x1] =	stream.indirect.gather [hbm4b:s3+s6], $0x1, s30, s6, $0xb8;
	[tilespmem:$0x1200] =	vst v63  }
0xcc: {  	_ =	swait.ge [sflag:s1], $0x80  }
0xcd: {  	[sflag:s1] =	ssyncset.done $0x0  }
0xce: {  	[sflag:s1] =	ssyncadd.s32 $0xFFFFFF80  }
0xcf: {  	_ =	swait.ge [sflag:s1], $0x80  }
0xd0: {  	[sflag:s1] =	ssyncset.done $0x0  }
0xd1: {  	[sflag:s1] =	ssyncadd.s32 $0xFFFFFF80  }
0xd2: {  	_ =	swait.ge [sflag:s1], $0x80  }
0xd3: {  	[sflag:s1] =	ssyncset.done $0x0  }
0xd4: {  	[sflag:s1] =	ssyncadd.s32 $0xFFFFFF80  }
0xd5: {  	_ =	swait.ge [sflag:s1], $0x80  }
0xd6: {  	[sflag:s1] =	ssyncset.done $0x0  }
0xd7: {  	[sflag:s1] =	ssyncadd.s32 $0xFFFFFF80  }
0xd8: {  	_ =	swait.ge [sflag:s1], $0x80  }
0xd9: {  	[sflag:s1] =	ssyncset.done $0x0  }
0xda: {  	[sflag:s1] =	ssyncadd.s32 $0xFFFFFF80  }
0xdb: {  	_ =	swait.ge [sflag:s1], $0x80  }
0xdc: {  	[sflag:s1] =	ssyncset.done $0x0  }
0xdd: {  	[sflag:s1] =	ssyncadd.s32 $0xFFFFFF80  }
0xde: {  	_ =	swait.ge [sflag:s1], $0x80  }
0xdf: {  	[sflag:s1] =	ssyncset.done $0x0  }
0xe0: {  	[sflag:s1] =	ssyncadd.s32 $0xFFFFFF80  }
0xe1: {  	_ =	swait.ge [sflag:s1], $0x80  }
0xe2: {  	[sflag:s1] =	ssyncset.done $0x0  }
0xe3: {  	[sflag:s1] =	ssyncadd.s32 $0xFFFFFF80  }
0xe4: {  	_ =	swait.ge [sflag:s1], $0x80  }
0xe5: {  	[sflag:s1] =	ssyncset.done $0x0  }
0xe6: {  	[sflag:s1] =	ssyncadd.s32 $0xFFFFFF80  }
0xe7: {  	_ =	swait.ge [sflag:s1], $0x80  }
0xe8: {  	[sflag:s1] =	ssyncset.done $0x0  }
0xe9: {  	[sflag:s1] =	ssyncadd.s32 $0xFFFFFF80  }
0xea: {  	_ =	swait.ge [sflag:s1], $0x80  }
0xeb: {  	[sflag:s1] =	ssyncset.done $0x0  }
0xec: {  	[sflag:s1] =	ssyncadd.s32 $0xFFFFFF80  }
0xed: {  	_ =	swait.ge [sflag:s1], $0x80  }
0xee: {  	[sflag:s1] =	ssyncset.done $0x0  }
0xef: {  	[sflag:s1] =	ssyncadd.s32 $0xFFFFFF80  }
0xf0: {  	_ =	swait.ge [sflag:s1], $0x80  }
0xf1: {  	[sflag:s1] =	ssyncset.done $0x0  }
0xf2: {  	[sflag:s1] =	ssyncadd.s32 $0xFFFFFF80  }
0xf3: {  	_ =	swait.ge [sflag:s1], $0x80  }
0xf4: {  	[sflag:s1] =	ssyncset.done $0x0  }
0xf5: {  	[sflag:s1] =	ssyncadd.s32 $0xFFFFFF80  }
0xf6: {  	_ =	swait.ge [sflag:s1], $0x80  }
0xf7: {  	[sflag:s1] =	ssyncset.done $0x0  }
0xf8: {  	[sflag:s1] =	ssyncadd.s32 $0xFFFFFF80  }
0xf9: {  	_ =	swait.ge [sflag:s1], $0x80  }
0xfa: {  	p0 =	sne.s32 s4, $0x1;
	[sflag:s1] =	ssyncset.done $0x0  }
.Ltmp0:
0xfb: {  	s10 =	rddreg [dreg:$0x5];
	[sflag:s1] =	ssyncadd.s32 $0xFFFFFF80;
	(pc) =	sbr.rel @p0 .LBB2_1-.Ltmp0, $4  }
0xfc: {  	[hbm4b:s10+s2] =	stream.linear.scatter [tilespmem:s7], [sflag:$0x2], $0x800, $0x38;
	[tilespmem:$0x1200] =	vst v63  }
0xfd: {  	_ =	swait.ge [sflag:s5], $0x800  }
0xfe: {  	[sflag:s5] =	ssyncset.done $0x0  }
0xff: {  	s4 =	sadd.s32 $0xFFFFFFFF, s4;
	[sflag:s5] =	ssyncadd.s32 $0xFFFFF800  }
0x100: {  	_ =	sfence.sel $0x180000  }
0x101: {  	[bflag:$0x0] =	sbarrier.arrive $0xFFFF  }
0x102: {  	_ =	strace $0x90000047  }
0x103: {  	s0 =	stileid.u32;
	[bflag:$0x2] =	sbarrier.arrive $0xFFFF  }
0x104: {  	p0 =	sne.s32 s0, $0x0;
	s0 =	rddreg [dreg:$0x3]  }
0x105: {  	s0 =	sadd.s32 @!p0 $0x100000, s0  }
0x106: {  	[sflag:s0] =	ssyncadd.tile.s32 @!p0 $0x1;
	_ =	shalt  }
.Lfunc_end2:
_tile_overlayer_lowered:
.L_overlay_start_2:
0x107: {  	(tag) =	ssettag $0x2  }
0x108: {  	s0 =	rddreg [dreg:$0x0];
	s2 =	stileid.u32  }
0x109: {  	s1 =	rddreg [dreg:$0x1];
	p0 =	sne.s32 s2, $0x0  }
0x10a: {  	s3 =	rddreg [dreg:$0x2];
	[bflag:$0x3] =	sbarrier.arrive $0xFFFF;
	s2 =	simm.s32 @!p0 $0x1C02  }
0x10b: {  	[timem:s3], [sflag:s2] =	dma.local @!p0 [hbm:s0], s1  }
0x10c: {  	s0 =	simm.s32 @!p0 $0x2  }
0x10d: {  	_ =	swait.ge @!p0 [sflag:s0], s1  }
0x10e: {  	s1 =	ssub.s32 @!p0 $0x0, s1;
	[sflag:s0] =	ssyncset.done @!p0 $0x0  }
0x10f: {  	[sflag:s0] =	ssyncadd.s32 @!p0 s1  }
0x110: {  	[bflag:$0x3] =	sbarrier.arrive $0xFFFF  }
0x111: {  	_ =	shalt  }

</sc_bundles>
